<compile_context>
chip_gen: v7x
topology: tpu7x:2x2x1
jax: 0.10.2.dev20260603
libtpu: 0.0.44.dev20260713+nightly
codegen_flags: <defaults>
</compile_context>

<pallas_src>
import functools

import jax
import jax.numpy as jnp
from jax import lax
from jax.experimental import pallas as pl
from jax.experimental.pallas import tpu as pltpu
from jax.experimental.pallas import tpu_sc as plsc

N_TILES = 32
LANES = 16
C1 = 32
NQ = 4
NR = N_TILES // NQ
CQ = C1 // NQ
NPAIR = CQ // 2


def _tc_pre(pos_t, W1, b1, W2, b2, W3, b3, k_nbr):

    def body(pos_ref, w1_ref, b1_ref, w2_ref, b2_ref, w3_ref, b3_ref,
             p_ref, c_ref, wc_ref, bias_ref):
        w = w1_ref[...]
        ps = pos_ref[...]
        npad = ps.shape[1]
        p32 = (w[3, :][:, None] * ps[0:1, :]
               + w[4, :][:, None] * ps[1:2, :]
               + w[5, :][:, None] * ps[2:3, :])
        c_ref[...] = (w[0, :][:, None] * ps[0:1, :]
                      + w[1, :][:, None] * ps[1:2, :]
                      + w[2, :][:, None] * ps[2:3, :]
                      + b1_ref[...][:, None]).reshape(NQ, CQ, npad)
        pr = p32.reshape(NQ, 2, NPAIR, npad)
        au = lax.bitcast_convert_type(pr[:, 0], jnp.int32) + 0x8000
        bu = lax.bitcast_convert_type(pr[:, 1], jnp.int32) + 0x8000
        pk = jnp.bitwise_or(lax.shift_right_logical(au, 16),
                            jnp.bitwise_and(bu, jnp.int32(-65536)))
        p_ref[...] = pk.reshape(NQ, NPAIR * npad)
        hi = jax.lax.Precision.HIGHEST
        wc_ref[...] = jnp.dot(w2_ref[...], w3_ref[...], precision=hi,
                              preferred_element_type=jnp.float32)
        bias_ref[...] = (float(k_nbr)
                         * jnp.dot(b2_ref[...][None, :], w3_ref[...],
                                   precision=hi,
                                   preferred_element_type=jnp.float32)
                         + b3_ref[...][None, :])

    npad = pos_t.shape[1]
    return pl.pallas_call(
        body,
        out_shape=(jax.ShapeDtypeStruct((NQ, NPAIR * npad), jnp.int32),
                   jax.ShapeDtypeStruct((NQ, CQ, npad), jnp.float32),
                   jax.ShapeDtypeStruct((C1, C1), jnp.float32),
                   jax.ShapeDtypeStruct((1, C1), jnp.float32)),
    )(pos_t, W1, b1, W2, b2, W3, b3)


def _sc_segment_sum(p2, c3, nbr_t):
    k_nbr = nbr_t.shape[0]
    npad = nbr_t.shape[1]
    npr = npad // NR
    n_grp = npr // LANES
    mesh = plsc.VectorSubcoreMesh(core_axis_name="c", subcore_axis_name="s")

    @functools.partial(
        pl.kernel,
        out_type=jax.ShapeDtypeStruct((NQ, CQ, npad), jnp.float32),
        mesh=mesh,
        compiler_params=pltpu.CompilerParams(needs_layout_passes=False),
        scratch_types=[
            pltpu.VMEM((NPAIR * npad,), jnp.int32),
            pltpu.VMEM((CQ, npr), jnp.float32),
            pltpu.VMEM((k_nbr, npr), jnp.int32),
            pltpu.VMEM((CQ, npr), jnp.float32),
            pltpu.SemaphoreType.DMA,
        ],
    )
    def sc_kernel(p_hbm, c_hbm, nbr_hbm, out_hbm, p_v, c_v, nbr_v, out_v,
                  sem):
        wid = lax.axis_index("s") * 2 + lax.axis_index("c")
        q = wid // NR
        r = wid - q * NR
        base = r * npr

        cps = [pltpu.async_copy(p_hbm.at[q], p_v, sem),
               pltpu.async_copy(c_hbm.at[q, :, pl.ds(base, npr)], c_v, sem),
               pltpu.async_copy(nbr_hbm.at[:, pl.ds(base, npr)], nbr_v, sem)]
        for cp in cps:
            cp.wait()

        def g_body(g, carry):
            gs = pl.multiple_of(g * LANES, LANES)
            ccs = [c_v[c, pl.ds(gs, LANES)] for c in range(CQ)]
            accs = [jnp.zeros((LANES,), jnp.float32)] * CQ
            for k in range(k_nbr):
                idx = nbr_v[k, pl.ds(gs, LANES)]
                for u in range(NPAIR):
                    pv = plsc.load_gather(p_v, [idx + (u * npad)])
                    lo = plsc.bitcast(lax.shift_left(pv, 16), jnp.float32)
                    hi = plsc.bitcast(pv, jnp.float32)
                    accs[u] = accs[u] + jnp.maximum(lo + ccs[u], 0.0)
                    accs[u + NPAIR] = (accs[u + NPAIR]
                                       + jnp.maximum(hi + ccs[u + NPAIR],
                                                     0.0))
            for c in range(CQ):
                out_v[c, pl.ds(gs, LANES)] = accs[c]
            return carry

        lax.fori_loop(0, n_grp, g_body, 0)
        pltpu.sync_copy(out_v, out_hbm.at[q, :, pl.ds(base, npr)])

    return sc_kernel(p2, c3, nbr_t)



def _tc_project(s_cm, wc, bias):

    def body(s_ref, wc_ref, bias_ref, o_ref):
        o_ref[...] = lax.dot_general(
            s_ref[...], wc_ref[...], (((0,), (0,)), ((), ())),
            preferred_element_type=jnp.float32) + bias_ref[...]

    npad = s_cm.shape[1]
    return pl.pallas_call(
        body,
        out_shape=jax.ShapeDtypeStruct((npad, C1), jnp.float32),
    )(s_cm, wc, bias)


def kernel(inp_pos, out_pos, inp_features, neighbors_index,
           W1, b1, W2, b2, W3, b3):
    n = inp_pos.shape[0]
    k_nbr = neighbors_index.shape[1]
    npad = ((n + LANES * N_TILES - 1) // (LANES * N_TILES)) * (LANES * N_TILES)

    pos_t = jnp.zeros((3, npad), jnp.float32).at[:, :n].set(
        inp_pos.astype(jnp.float32).T)
    nbr_raw = jnp.zeros((k_nbr, npad), jnp.int32).at[:, :n].set(
        neighbors_index.T)
    nbr_t = jnp.where(nbr_raw == 0, npad - 1, nbr_raw - 1)

    p2, c3, wc, bias = _tc_pre(pos_t, W1.astype(jnp.float32),
                               b1.astype(jnp.float32), W2, b2, W3, b3,
                               k_nbr)
    s3 = _sc_segment_sum(p2, c3, nbr_t)
    out = _tc_project(s3.reshape(C1, npad), wc, bias)
    return out[:n].reshape(n, 1, 1, C1)

# --- scband reference (transcript-rebuilt; emitter-appended) ---
"""Pipeline reference for scband-my-conv-72834055405780 (READ-ONLY COPY).

The authoritative reference and input builder live on the scoring server;
editing this copy changes nothing except your own understanding.
"""

import jax, jax.numpy as jnp
import numpy as np

N = 10000
K = 16
D_FEAT = 128

def setup_inputs(seed: int = 0) -> dict:
    key = jax.random.key(seed)
    ks = jax.random.split(key, 8)
    inp_pos = jax.random.normal(ks[0], (N, 3), dtype=jnp.float32)
    out_pos = jax.random.normal(ks[1], (N, 3), dtype=jnp.float32)
    inp_features = jax.random.normal(ks[2], (N, D_FEAT), dtype=jnp.float32)
    neighbors_index = jax.random.randint(ks[3], (N, K), 0, N, dtype=jnp.int32)
    # 1x1 Conv2D kernels are equivalent to dense layers over the channel dim
    W1 = jax.random.normal(ks[4], (6, 32), dtype=jnp.float32) * 0.05
    b1 = jnp.zeros((32,), dtype=jnp.float32)
    W2 = jax.random.normal(ks[5], (32, 256), dtype=jnp.float32) * 0.05
    b2 = jnp.zeros((256,), dtype=jnp.float32)
    W3 = jax.random.normal(ks[6], (256, 32), dtype=jnp.float32) * 0.05
    b3 = jnp.zeros((32,), dtype=jnp.float32)
    return {"inp_pos": inp_pos, "out_pos": out_pos, "inp_features": inp_features,
            "neighbors_index": neighbors_index,
            "W1": W1, "b1": b1, "W2": W2, "b2": b2, "W3": W3, "b3": b3}

def reference(inp_pos, out_pos, inp_features, neighbors_index, W1, b1, W2, b2, W3, b3):
    # embedding lookup of neighbor features (present but unused in the original forward)
    embedding = jnp.take(inp_features, neighbors_index, axis=0)  # [N, K, D_FEAT]
    # prepend a zero row so index 0 can act as padding sentinel
    inp_pos_1 = jnp.concatenate([jnp.zeros((1, 3), dtype=inp_pos.dtype), inp_pos], axis=0)  # [N+1, 3]
    pos_feat = jnp.take(inp_pos_1, neighbors_index, axis=0)  # [N, K, 3]
    # concat center positions with gathered neighbor positions (broadcast over K)
    center = jnp.broadcast_to(inp_pos[:, None, :], pos_feat.shape)  # [N, K, 3]
    x = jnp.concatenate([center, pos_feat], axis=-1)  # [N, K, 6]
    x = x[:, None, :, :]  # expand_dims(axis=1) -> [N, 1, K, 6]
    x = jax.nn.relu(x @ W1 + b1)  # conv_1 (1x1) -> [N, 1, K, 32]
    x = x @ W2 + b2               # conv_2 (1x1) -> [N, 1, K, 256]
    x = jnp.sum(x, axis=2, keepdims=True)  # reduce over neighbors -> [N, 1, 1, 256]
    out_feat = x @ W3 + b3        # conv_out (1x1) -> [N, 1, 1, 32]
    return out_feat

if __name__ == "__main__":
    import jax
    _d = setup_inputs()
    print(jax.jit(kernel)(*tuple(_d.values())))

</pallas_src>

<mosaic_0001>
#map = affine_map<(d0, d1) -> (0, 0)>
#map1 = affine_map<(d0, d1) -> (0, 0, 0)>
module attributes {stable_mosaic.version = 14 : i64} {
  func.func @sc_kernel(%arg0: i32, %arg1: i32, %arg2: memref<4x40960xi32, #tpu.memory_space<hbm>>, %arg3: memref<4x8x10240xf32, #tpu.memory_space<hbm>>, %arg4: memref<16x10240xi32, #tpu.memory_space<hbm>>, %arg5: memref<4x8x10240xf32, #tpu.memory_space<hbm>>, %arg6: memref<40960xi32, #tpu.memory_space<vmem>>, %arg7: memref<8x1280xf32, #tpu.memory_space<vmem>>, %arg8: memref<16x1280xi32, #tpu.memory_space<vmem>>, %arg9: memref<8x1280xf32, #tpu.memory_space<vmem>>, %arg10: memref<!tpu.dma_semaphore, #tpu.memory_space<semaphore_mem>>) attributes {dimension_semantics = [#tpu.dimension_semantics<core_parallel>, #tpu.dimension_semantics<subcore_parallel>], iteration_bounds = array<i64: 2, 16>, scalar_prefetch = 0 : i64, scratch_operands = 5 : i64, tpu.core_type = #tpu.core_type<sc_vector_subcore>, window_params = [{transform_indices = #map}, {transform_indices = #map1}, {transform_indices = #map}, {transform_indices = #map1}]} {
    %mul3A = arith.constant 2 : i32
    %mul3A_0 = arith.muli %arg1, %mul3A : i32
    %add3A = arith.addi %mul3A_0, %arg0 : i32
    %jit3A = arith.constant 8 : i32
    %div3A = arith.divsi %add3A, %jit3A : i32
    %sign3A = arith.constant 0 : i32
    %sign3A_1 = arith.cmpi sgt, %add3A, %sign3A : i32
    %sign3A_2 = arith.extui %sign3A_1 : i1 to i32
    %sign3A_3 = arith.constant 0 : i32
    %sign3A_4 = arith.cmpi slt, %add3A, %sign3A_3 : i32
    %sign3A_5 = arith.extui %sign3A_4 : i1 to i32
    %sign3A_6 = arith.subi %sign3A_2, %sign3A_5 : i32
    %sign3A_7 = arith.constant 0 : i32
    %sign3A_8 = arith.cmpi sgt, %jit3A, %sign3A_7 : i32
    %sign3A_9 = arith.extui %sign3A_8 : i1 to i32
    %sign3A_10 = arith.constant 0 : i32
    %sign3A_11 = arith.cmpi slt, %jit3A, %sign3A_10 : i32
    %sign3A_12 = arith.extui %sign3A_11 : i1 to i32
    %sign3A_13 = arith.subi %sign3A_9, %sign3A_12 : i32
    %ne3A = arith.cmpi ne, %sign3A_6, %sign3A_13 : i32
    %rem3A = arith.remsi %add3A, %jit3A : i32
    %ne3A_14 = arith.constant 0 : i32
    %ne3A_15 = arith.cmpi ne, %rem3A, %ne3A_14 : i32
    %and3A = arith.andi %ne3A, %ne3A_15 : i1
    %sub3A = arith.constant 1 : i32
    %sub3A_16 = arith.subi %div3A, %sub3A : i32
    %select_n3A = arith.select %and3A, %sub3A_16, %div3A : i32
    %mul3A_17 = arith.constant 8 : i32
    %mul3A_18 = arith.muli %select_n3A, %mul3A_17 : i32
    %sub3A_19 = arith.subi %add3A, %mul3A_18 : i32
    %mul3A_20 = arith.constant 1280 : i32
    %mul3A_21 = arith.muli %sub3A_19, %mul3A_20 : i32
    %dma_start3A = arith.constant 0 : i32
    %dma_start3A_22 = tpu.memref_slice %arg2[%select_n3A, %dma_start3A] : memref<4x40960xi32, #tpu.memory_space<hbm>> -> memref<1x40960xi32, #tpu.memory_space<hbm>>
    %dma_start3A_23 = tpu.memref_squeeze %dma_start3A_22 : memref<1x40960xi32, #tpu.memory_space<hbm>> -> memref<40960xi32, #tpu.memory_space<hbm>>
    %dma_start3A_24 = arith.constant 0 : i32
    %dma_start3A_25 = tpu.memref_slice %arg2[%select_n3A, %dma_start3A_24] : memref<4x40960xi32, #tpu.memory_space<hbm>> -> memref<1x40960xi32, #tpu.memory_space<hbm>>
    %dma_start3A_26 = tpu.memref_squeeze %dma_start3A_25 : memref<1x40960xi32, #tpu.memory_space<hbm>> -> memref<40960xi32, #tpu.memory_space<hbm>>
    tpu.enqueue_dma source(%dma_start3A_26 : memref<40960xi32, #tpu.memory_space<hbm>>) target(%arg6 : memref<40960xi32, #tpu.memory_space<vmem>>) target_semaphore(%arg10 : memref<!tpu.dma_semaphore, #tpu.memory_space<semaphore_mem>>)
    %dma_start3A_27 = arith.constant 0 : i32
    %dma_start3A_28 = tpu.memref_slice %arg3[%select_n3A, %dma_start3A_27, %mul3A_21] : memref<4x8x10240xf32, #tpu.memory_space<hbm>> -> memref<1x8x1280xf32, #tpu.memory_space<hbm>>
    %dma_start3A_29 = tpu.memref_squeeze %dma_start3A_28 : memref<1x8x1280xf32, #tpu.memory_space<hbm>> -> memref<8x1280xf32, #tpu.memory_space<hbm>>
    %dma_start3A_30 = arith.constant 0 : i32
    %dma_start3A_31 = tpu.memref_slice %arg3[%select_n3A, %dma_start3A_30, %mul3A_21] : memref<4x8x10240xf32, #tpu.memory_space<hbm>> -> memref<1x8x1280xf32, #tpu.memory_space<hbm>>
    %dma_start3A_32 = tpu.memref_squeeze %dma_start3A_31 : memref<1x8x1280xf32, #tpu.memory_space<hbm>> -> memref<8x1280xf32, #tpu.memory_space<hbm>>
    tpu.enqueue_dma source(%dma_start3A_32 : memref<8x1280xf32, #tpu.memory_space<hbm>>) target(%arg7 : memref<8x1280xf32, #tpu.memory_space<vmem>>) target_semaphore(%arg10 : memref<!tpu.dma_semaphore, #tpu.memory_space<semaphore_mem>>)
    %dma_start3A_33 = arith.constant 0 : i32
    %dma_start3A_34 = tpu.memref_slice %arg4[%dma_start3A_33, %mul3A_21] : memref<16x10240xi32, #tpu.memory_space<hbm>> -> memref<16x1280xi32, #tpu.memory_space<hbm>>
    %dma_start3A_35 = arith.constant 0 : i32
    %dma_start3A_36 = tpu.memref_slice %arg4[%dma_start3A_35, %mul3A_21] : memref<16x10240xi32, #tpu.memory_space<hbm>> -> memref<16x1280xi32, #tpu.memory_space<hbm>>
    tpu.enqueue_dma source(%dma_start3A_36 : memref<16x1280xi32, #tpu.memory_space<hbm>>) target(%arg8 : memref<16x1280xi32, #tpu.memory_space<vmem>>) target_semaphore(%arg10 : memref<!tpu.dma_semaphore, #tpu.memory_space<semaphore_mem>>)
    %dma_wait3A = arith.constant 0 : i32
    %dma_wait3A_37 = tpu.memref_slice %arg2[%select_n3A, %dma_wait3A] : memref<4x40960xi32, #tpu.memory_space<hbm>> -> memref<1x40960xi32, #tpu.memory_space<hbm>>
    %dma_wait3A_38 = tpu.memref_squeeze %dma_wait3A_37 : memref<1x40960xi32, #tpu.memory_space<hbm>> -> memref<40960xi32, #tpu.memory_space<hbm>>
    %dma_wait3A_39 = arith.constant 0 : i32
    %dma_wait3A_40 = tpu.memref_slice %arg2[%select_n3A, %dma_wait3A_39] : memref<4x40960xi32, #tpu.memory_space<hbm>> -> memref<1x40960xi32, #tpu.memory_space<hbm>>
    %dma_wait3A_41 = tpu.memref_squeeze %dma_wait3A_40 : memref<1x40960xi32, #tpu.memory_space<hbm>> -> memref<40960xi32, #tpu.memory_space<hbm>>
    tpu.wait_dma2 semaphore(%arg10 : memref<!tpu.dma_semaphore, #tpu.memory_space<semaphore_mem>>) src(%dma_wait3A_41 : memref<40960xi32, #tpu.memory_space<hbm>>) dst(%arg6 : memref<40960xi32, #tpu.memory_space<vmem>>)
    %dma_wait3A_42 = arith.constant 0 : i32
    %dma_wait3A_43 = tpu.memref_slice %arg3[%select_n3A, %dma_wait3A_42, %mul3A_21] : memref<4x8x10240xf32, #tpu.memory_space<hbm>> -> memref<1x8x1280xf32, #tpu.memory_space<hbm>>
    %dma_wait3A_44 = tpu.memref_squeeze %dma_wait3A_43 : memref<1x8x1280xf32, #tpu.memory_space<hbm>> -> memref<8x1280xf32, #tpu.memory_space<hbm>>
    %dma_wait3A_45 = arith.constant 0 : i32
    %dma_wait3A_46 = tpu.memref_slice %arg3[%select_n3A, %dma_wait3A_45, %mul3A_21] : memref<4x8x10240xf32, #tpu.memory_space<hbm>> -> memref<1x8x1280xf32, #tpu.memory_space<hbm>>
    %dma_wait3A_47 = tpu.memref_squeeze %dma_wait3A_46 : memref<1x8x1280xf32, #tpu.memory_space<hbm>> -> memref<8x1280xf32, #tpu.memory_space<hbm>>
    tpu.wait_dma2 semaphore(%arg10 : memref<!tpu.dma_semaphore, #tpu.memory_space<semaphore_mem>>) src(%dma_wait3A_47 : memref<8x1280xf32, #tpu.memory_space<hbm>>) dst(%arg7 : memref<8x1280xf32, #tpu.memory_space<vmem>>)
    %dma_wait3A_48 = arith.constant 0 : i32
    %dma_wait3A_49 = tpu.memref_slice %arg4[%dma_wait3A_48, %mul3A_21] : memref<16x10240xi32, #tpu.memory_space<hbm>> -> memref<16x1280xi32, #tpu.memory_space<hbm>>
    %dma_wait3A_50 = arith.constant 0 : i32
    %dma_wait3A_51 = tpu.memref_slice %arg4[%dma_wait3A_50, %mul3A_21] : memref<16x10240xi32, #tpu.memory_space<hbm>> -> memref<16x1280xi32, #tpu.memory_space<hbm>>
    tpu.wait_dma2 semaphore(%arg10 : memref<!tpu.dma_semaphore, #tpu.memory_space<semaphore_mem>>) src(%dma_wait3A_51 : memref<16x1280xi32, #tpu.memory_space<hbm>>) dst(%arg8 : memref<16x1280xi32, #tpu.memory_space<vmem>>)
    %scan3A = arith.constant 0 : i32
    %scan3A_52 = arith.constant 0 : i32
    %scan3A_53 = arith.constant 80 : i32
    %scan3A_54 = arith.addi %scan3A_52, %scan3A_53 : i32
    %scan3A_55 = arith.constant 1 : i32
    scf.for %scan3A_57 = %scan3A_52 to %scan3A_54 step %scan3A_55  : i32 {
      %mul3A_58 = arith.constant 16 : i32
      %mul3A_59 = arith.muli %scan3A_57, %mul3A_58 : i32
      %multiple_of3A = tpu.assume_multiple %mul3A_59, 16 : i32
      %get3A = arith.constant 0 : i32
      %get3A_60 = arith.index_cast %get3A : i32 to index
      %get3A_61 = arith.index_cast %multiple_of3A : i32 to index
      %get3A_62 = tpu.vector_load %arg7[%get3A_60, %get3A_61] {strides = array<i32>} : memref<8x1280xf32, #tpu.memory_space<vmem>>, vector<16xf32>,
      %get3A_63 = arith.constant 1 : i32
      %get3A_64 = arith.index_cast %get3A_63 : i32 to index
      %get3A_65 = arith.index_cast %multiple_of3A : i32 to index
      %get3A_66 = tpu.vector_load %arg7[%get3A_64, %get3A_65] {strides = array<i32>} : memref<8x1280xf32, #tpu.memory_space<vmem>>, vector<16xf32>,
      %get3A_67 = arith.constant 2 : i32
      %get3A_68 = arith.index_cast %get3A_67 : i32 to index
      %get3A_69 = arith.index_cast %multiple_of3A : i32 to index
      %get3A_70 = tpu.vector_load %arg7[%get3A_68, %get3A_69] {strides = array<i32>} : memref<8x1280xf32, #tpu.memory_space<vmem>>, vector<16xf32>,
      %get3A_71 = arith.constant 3 : i32
      %get3A_72 = arith.index_cast %get3A_71 : i32 to index
      %get3A_73 = arith.index_cast %multiple_of3A : i32 to index
      %get3A_74 = tpu.vector_load %arg7[%get3A_72, %get3A_73] {strides = array<i32>} : memref<8x1280xf32, #tpu.memory_space<vmem>>, vector<16xf32>,
      %get3A_75 = arith.constant 4 : i32
      %get3A_76 = arith.index_cast %get3A_75 : i32 to index
      %get3A_77 = arith.index_cast %multiple_of3A : i32 to index
      %get3A_78 = tpu.vector_load %arg7[%get3A_76, %get3A_77] {strides = array<i32>} : memref<8x1280xf32, #tpu.memory_space<vmem>>, vector<16xf32>,
      %get3A_79 = arith.constant 5 : i32
      %get3A_80 = arith.index_cast %get3A_79 : i32 to index
      %get3A_81 = arith.index_cast %multiple_of3A : i32 to index
      %get3A_82 = tpu.vector_load %arg7[%get3A_80, %get3A_81] {strides = array<i32>} : memref<8x1280xf32, #tpu.memory_space<vmem>>, vector<16xf32>,
      %get3A_83 = arith.constant 6 : i32
      %get3A_84 = arith.index_cast %get3A_83 : i32 to index
      %get3A_85 = arith.index_cast %multiple_of3A : i32 to index
      %get3A_86 = tpu.vector_load %arg7[%get3A_84, %get3A_85] {strides = array<i32>} : memref<8x1280xf32, #tpu.memory_space<vmem>>, vector<16xf32>,
      %get3A_87 = arith.constant 7 : i32
      %get3A_88 = arith.index_cast %get3A_87 : i32 to index
      %get3A_89 = arith.index_cast %multiple_of3A : i32 to index
      %get3A_90 = tpu.vector_load %arg7[%get3A_88, %get3A_89] {strides = array<i32>} : memref<8x1280xf32, #tpu.memory_space<vmem>>, vector<16xf32>,
      %broadcast_in_dim3A = arith.constant 0.000000e+00 : f32
      %broadcast_in_dim3A_91 = vector.broadcast %broadcast_in_dim3A : f32 to vector<16xf32>
      %get3A_92 = arith.constant 0 : i32
      %get3A_93 = arith.index_cast %get3A_92 : i32 to index
      %get3A_94 = arith.index_cast %multiple_of3A : i32 to index
      %get3A_95 = tpu.vector_load %arg8[%get3A_93, %get3A_94] {strides = array<i32>} : memref<16x1280xi32, #tpu.memory_space<vmem>>, vector<16xi32>,
      %add3A_96 = arith.constant 0 : i32
      %add3A_97 = vector.broadcast %add3A_96 : i32 to vector<16xi32>
      %add3A_98 = arith.addi %get3A_95, %add3A_97 : vector<16xi32>
      %gather3A = tpu.vector_load_idx %arg6[%add3A_98] : memref<40960xi32, #tpu.memory_space<vmem>>[vector<16xi32>], vector<16xi32>,
      %shift_left3A = arith.constant 16 : i32
      %shift_left3A_99 = vector.broadcast %shift_left3A : i32 to vector<16xi32>
      %shift_left3A_100 = arith.shli %gather3A, %shift_left3A_99 : vector<16xi32>
      %bitcast3A = vector.bitcast %shift_left3A_100 : vector<16xi32> to vector<16xf32>
      %bitcast3A_101 = vector.bitcast %gather3A : vector<16xi32> to vector<16xf32>
      %add3A_102 = arith.addf %bitcast3A, %get3A_62 : vector<16xf32>
      %max3A = arith.constant 0.000000e+00 : f32
      %max3A_103 = vector.broadcast %max3A : f32 to vector<16xf32>
      %max3A_104 = arith.maximumf %add3A_102, %max3A_103 : vector<16xf32>
      %add3A_105 = arith.addf %broadcast_in_dim3A_91, %max3A_104 : vector<16xf32>
      %add3A_106 = arith.addf %bitcast3A_101, %get3A_78 : vector<16xf32>
      %max3A_107 = arith.constant 0.000000e+00 : f32
      %max3A_108 = vector.broadcast %max3A_107 : f32 to vector<16xf32>
      %max3A_109 = arith.maximumf %add3A_106, %max3A_108 : vector<16xf32>
      %add3A_110 = arith.addf %broadcast_in_dim3A_91, %max3A_109 : vector<16xf32>
      %add3A_111 = arith.constant 10240 : i32
      %add3A_112 = vector.broadcast %add3A_111 : i32 to vector<16xi32>
      %add3A_113 = arith.addi %get3A_95, %add3A_112 : vector<16xi32>
      %gather3A_114 = tpu.vector_load_idx %arg6[%add3A_113] : memref<40960xi32, #tpu.memory_space<vmem>>[vector<16xi32>], vector<16xi32>,
      %shift_left3A_115 = arith.constant 16 : i32
      %shift_left3A_116 = vector.broadcast %shift_left3A_115 : i32 to vector<16xi32>
      %shift_left3A_117 = arith.shli %gather3A_114, %shift_left3A_116 : vector<16xi32>
      %bitcast3A_118 = vector.bitcast %shift_left3A_117 : vector<16xi32> to vector<16xf32>
      %bitcast3A_119 = vector.bitcast %gather3A_114 : vector<16xi32> to vector<16xf32>
      %add3A_120 = arith.addf %bitcast3A_118, %get3A_66 : vector<16xf32>
      %max3A_121 = arith.constant 0.000000e+00 : f32
      %max3A_122 = vector.broadcast %max3A_121 : f32 to vector<16xf32>
      %max3A_123 = arith.maximumf %add3A_120, %max3A_122 : vector<16xf32>
      %add3A_124 = arith.addf %broadcast_in_dim3A_91, %max3A_123 : vector<16xf32>
      %add3A_125 = arith.addf %bitcast3A_119, %get3A_82 : vector<16xf32>
      %max3A_126 = arith.constant 0.000000e+00 : f32
      %max3A_127 = vector.broadcast %max3A_126 : f32 to vector<16xf32>
      %max3A_128 = arith.maximumf %add3A_125, %max3A_127 : vector<16xf32>
      %add3A_129 = arith.addf %broadcast_in_dim3A_91, %max3A_128 : vector<16xf32>
      %add3A_130 = arith.constant 20480 : i32
      %add3A_131 = vector.broadcast %add3A_130 : i32 to vector<16xi32>
      %add3A_132 = arith.addi %get3A_95, %add3A_131 : vector<16xi32>
      %gather3A_133 = tpu.vector_load_idx %arg6[%add3A_132] : memref<40960xi32, #tpu.memory_space<vmem>>[vector<16xi32>], vector<16xi32>,
      %shift_left3A_134 = arith.constant 16 : i32
      %shift_left3A_135 = vector.broadcast %shift_left3A_134 : i32 to vector<16xi32>
      %shift_left3A_136 = arith.shli %gather3A_133, %shift_left3A_135 : vector<16xi32>
      %bitcast3A_137 = vector.bitcast %shift_left3A_136 : vector<16xi32> to vector<16xf32>
      %bitcast3A_138 = vector.bitcast %gather3A_133 : vector<16xi32> to vector<16xf32>
      %add3A_139 = arith.addf %bitcast3A_137, %get3A_70 : vector<16xf32>
      %max3A_140 = arith.constant 0.000000e+00 : f32
      %max3A_141 = vector.broadcast %max3A_140 : f32 to vector<16xf32>
      %max3A_142 = arith.maximumf %add3A_139, %max3A_141 : vector<16xf32>
      %add3A_143 = arith.addf %broadcast_in_dim3A_91, %max3A_142 : vector<16xf32>
      %add3A_144 = arith.addf %bitcast3A_138, %get3A_86 : vector<16xf32>
      %max3A_145 = arith.constant 0.000000e+00 : f32
      %max3A_146 = vector.broadcast %max3A_145 : f32 to vector<16xf32>
      %max3A_147 = arith.maximumf %add3A_144, %max3A_146 : vector<16xf32>
      %add3A_148 = arith.addf %broadcast_in_dim3A_91, %max3A_147 : vector<16xf32>
      %add3A_149 = arith.constant 30720 : i32
      %add3A_150 = vector.broadcast %add3A_149 : i32 to vector<16xi32>
      %add3A_151 = arith.addi %get3A_95, %add3A_150 : vector<16xi32>
      %gather3A_152 = tpu.vector_load_idx %arg6[%add3A_151] : memref<40960xi32, #tpu.memory_space<vmem>>[vector<16xi32>], vector<16xi32>,
      %shift_left3A_153 = arith.constant 16 : i32
      %shift_left3A_154 = vector.broadcast %shift_left3A_153 : i32 to vector<16xi32>
      %shift_left3A_155 = arith.shli %gather3A_152, %shift_left3A_154 : vector<16xi32>
      %bitcast3A_156 = vector.bitcast %shift_left3A_155 : vector<16xi32> to vector<16xf32>
      %bitcast3A_157 = vector.bitcast %gather3A_152 : vector<16xi32> to vector<16xf32>
      %add3A_158 = arith.addf %bitcast3A_156, %get3A_74 : vector<16xf32>
      %max3A_159 = arith.constant 0.000000e+00 : f32
      %max3A_160 = vector.broadcast %max3A_159 : f32 to vector<16xf32>
      %max3A_161 = arith.maximumf %add3A_158, %max3A_160 : vector<16xf32>
      %add3A_162 = arith.addf %broadcast_in_dim3A_91, %max3A_161 : vector<16xf32>
      %add3A_163 = arith.addf %bitcast3A_157, %get3A_90 : vector<16xf32>
      %max3A_164 = arith.constant 0.000000e+00 : f32
      %max3A_165 = vector.broadcast %max3A_164 : f32 to vector<16xf32>
      %max3A_166 = arith.maximumf %add3A_163, %max3A_165 : vector<16xf32>
      %add3A_167 = arith.addf %broadcast_in_dim3A_91, %max3A_166 : vector<16xf32>
      %get3A_168 = arith.constant 1 : i32
      %get3A_169 = arith.index_cast %get3A_168 : i32 to index
      %get3A_170 = arith.index_cast %multiple_of3A : i32 to index
      %get3A_171 = tpu.vector_load %arg8[%get3A_169, %get3A_170] {strides = array<i32>} : memref<16x1280xi32, #tpu.memory_space<vmem>>, vector<16xi32>,
      %add3A_172 = arith.constant 0 : i32
      %add3A_173 = vector.broadcast %add3A_172 : i32 to vector<16xi32>
      %add3A_174 = arith.addi %get3A_171, %add3A_173 : vector<16xi32>
      %gather3A_175 = tpu.vector_load_idx %arg6[%add3A_174] : memref<40960xi32, #tpu.memory_space<vmem>>[vector<16xi32>], vector<16xi32>,
      %shift_left3A_176 = arith.constant 16 : i32
      %shift_left3A_177 = vector.broadcast %shift_left3A_176 : i32 to vector<16xi32>
      %shift_left3A_178 = arith.shli %gather3A_175, %shift_left3A_177 : vector<16xi32>
      %bitcast3A_179 = vector.bitcast %shift_left3A_178 : vector<16xi32> to vector<16xf32>
      %bitcast3A_180 = vector.bitcast %gather3A_175 : vector<16xi32> to vector<16xf32>
      %add3A_181 = arith.addf %bitcast3A_179, %get3A_62 : vector<16xf32>
      %max3A_182 = arith.constant 0.000000e+00 : f32
      %max3A_183 = vector.broadcast %max3A_182 : f32 to vector<16xf32>
      %max3A_184 = arith.maximumf %add3A_181, %max3A_183 : vector<16xf32>
      %add3A_185 = arith.addf %add3A_105, %max3A_184 : vector<16xf32>
      %add3A_186 = arith.addf %bitcast3A_180, %get3A_78 : vector<16xf32>
      %max3A_187 = arith.constant 0.000000e+00 : f32
      %max3A_188 = vector.broadcast %max3A_187 : f32 to vector<16xf32>
      %max3A_189 = arith.maximumf %add3A_186, %max3A_188 : vector<16xf32>
      %add3A_190 = arith.addf %add3A_110, %max3A_189 : vector<16xf32>
      %add3A_191 = arith.constant 10240 : i32
      %add3A_192 = vector.broadcast %add3A_191 : i32 to vector<16xi32>
      %add3A_193 = arith.addi %get3A_171, %add3A_192 : vector<16xi32>
      %gather3A_194 = tpu.vector_load_idx %arg6[%add3A_193] : memref<40960xi32, #tpu.memory_space<vmem>>[vector<16xi32>], vector<16xi32>,
      %shift_left3A_195 = arith.constant 16 : i32
      %shift_left3A_196 = vector.broadcast %shift_left3A_195 : i32 to vector<16xi32>
      %shift_left3A_197 = arith.shli %gather3A_194, %shift_left3A_196 : vector<16xi32>
      %bitcast3A_198 = vector.bitcast %shift_left3A_197 : vector<16xi32> to vector<16xf32>
      %bitcast3A_199 = vector.bitcast %gather3A_194 : vector<16xi32> to vector<16xf32>
      %add3A_200 = arith.addf %bitcast3A_198, %get3A_66 : vector<16xf32>
      %max3A_201 = arith.constant 0.000000e+00 : f32
      %max3A_202 = vector.broadcast %max3A_201 : f32 to vector<16xf32>
      %max3A_203 = arith.maximumf %add3A_200, %max3A_202 : vector<16xf32>
      %add3A_204 = arith.addf %add3A_124, %max3A_203 : vector<16xf32>
      %add3A_205 = arith.addf %bitcast3A_199, %get3A_82 : vector<16xf32>
      %max3A_206 = arith.constant 0.000000e+00 : f32
      %max3A_207 = vector.broadcast %max3A_206 : f32 to vector<16xf32>
      %max3A_208 = arith.maximumf %add3A_205, %max3A_207 : vector<16xf32>
      %add3A_209 = arith.addf %add3A_129, %max3A_208 : vector<16xf32>
      %add3A_210 = arith.constant 20480 : i32
      %add3A_211 = vector.broadcast %add3A_210 : i32 to vector<16xi32>
      %add3A_212 = arith.addi %get3A_171, %add3A_211 : vector<16xi32>
      %gather3A_213 = tpu.vector_load_idx %arg6[%add3A_212] : memref<40960xi32, #tpu.memory_space<vmem>>[vector<16xi32>], vector<16xi32>,
      %shift_left3A_214 = arith.constant 16 : i32
      %shift_left3A_215 = vector.broadcast %shift_left3A_214 : i32 to vector<16xi32>
      %shift_left3A_216 = arith.shli %gather3A_213, %shift_left3A_215 : vector<16xi32>
      %bitcast3A_217 = vector.bitcast %shift_left3A_216 : vector<16xi32> to vector<16xf32>
      %bitcast3A_218 = vector.bitcast %gather3A_213 : vector<16xi32> to vector<16xf32>
      %add3A_219 = arith.addf %bitcast3A_217, %get3A_70 : vector<16xf32>
      %max3A_220 = arith.constant 0.000000e+00 : f32
      %max3A_221 = vector.broadcast %max3A_220 : f32 to vector<16xf32>
      %max3A_222 = arith.maximumf %add3A_219, %max3A_221 : vector<16xf32>
      %add3A_223 = arith.addf %add3A_143, %max3A_222 : vector<16xf32>
      %add3A_224 = arith.addf %bitcast3A_218, %get3A_86 : vector<16xf32>
      %max3A_225 = arith.constant 0.000000e+00 : f32
      %max3A_226 = vector.broadcast %max3A_225 : f32 to vector<16xf32>
      %max3A_227 = arith.maximumf %add3A_224, %max3A_226 : vector<16xf32>
      %add3A_228 = arith.addf %add3A_148, %max3A_227 : vector<16xf32>
      %add3A_229 = arith.constant 30720 : i32
      %add3A_230 = vector.broadcast %add3A_229 : i32 to vector<16xi32>
      %add3A_231 = arith.addi %get3A_171, %add3A_230 : vector<16xi32>
      %gather3A_232 = tpu.vector_load_idx %arg6[%add3A_231] : memref<40960xi32, #tpu.memory_space<vmem>>[vector<16xi32>], vector<16xi32>,
      %shift_left3A_233 = arith.constant 16 : i32
      %shift_left3A_234 = vector.broadcast %shift_left3A_233 : i32 to vector<16xi32>
      %shift_left3A_235 = arith.shli %gather3A_232, %shift_left3A_234 : vector<16xi32>
      %bitcast3A_236 = vector.bitcast %shift_left3A_235 : vector<16xi32> to vector<16xf32>
      %bitcast3A_237 = vector.bitcast %gather3A_232 : vector<16xi32> to vector<16xf32>
      %add3A_238 = arith.addf %bitcast3A_236, %get3A_74 : vector<16xf32>
      %max3A_239 = arith.constant 0.000000e+00 : f32
      %max3A_240 = vector.broadcast %max3A_239 : f32 to vector<16xf32>
      %max3A_241 = arith.maximumf %add3A_238, %max3A_240 : vector<16xf32>
      %add3A_242 = arith.addf %add3A_162, %max3A_241 : vector<16xf32>
      %add3A_243 = arith.addf %bitcast3A_237, %get3A_90 : vector<16xf32>
      %max3A_244 = arith.constant 0.000000e+00 : f32
      %max3A_245 = vector.broadcast %max3A_244 : f32 to vector<16xf32>
      %max3A_246 = arith.maximumf %add3A_243, %max3A_245 : vector<16xf32>
      %add3A_247 = arith.addf %add3A_167, %max3A_246 : vector<16xf32>
      %get3A_248 = arith.constant 2 : i32
      %get3A_249 = arith.index_cast %get3A_248 : i32 to index
      %get3A_250 = arith.index_cast %multiple_of3A : i32 to index
      %get3A_251 = tpu.vector_load %arg8[%get3A_249, %get3A_250] {strides = array<i32>} : memref<16x1280xi32, #tpu.memory_space<vmem>>, vector<16xi32>,
      %add3A_252 = arith.constant 0 : i32
      %add3A_253 = vector.broadcast %add3A_252 : i32 to vector<16xi32>
      %add3A_254 = arith.addi %get3A_251, %add3A_253 : vector<16xi32>
      %gather3A_255 = tpu.vector_load_idx %arg6[%add3A_254] : memref<40960xi32, #tpu.memory_space<vmem>>[vector<16xi32>], vector<16xi32>,
      %shift_left3A_256 = arith.constant 16 : i32
      %shift_left3A_257 = vector.broadcast %shift_left3A_256 : i32 to vector<16xi32>
      %shift_left3A_258 = arith.shli %gather3A_255, %shift_left3A_257 : vector<16xi32>
      %bitcast3A_259 = vector.bitcast %shift_left3A_258 : vector<16xi32> to vector<16xf32>
      %bitcast3A_260 = vector.bitcast %gather3A_255 : vector<16xi32> to vector<16xf32>
      %add3A_261 = arith.addf %bitcast3A_259, %get3A_62 : vector<16xf32>
      %max3A_262 = arith.constant 0.000000e+00 : f32
      %max3A_263 = vector.broadcast %max3A_262 : f32 to vector<16xf32>
      %max3A_264 = arith.maximumf %add3A_261, %max3A_263 : vector<16xf32>
      %add3A_265 = arith.addf %add3A_185, %max3A_264 : vector<16xf32>
      %add3A_266 = arith.addf %bitcast3A_260, %get3A_78 : vector<16xf32>
      %max3A_267 = arith.constant 0.000000e+00 : f32
      %max3A_268 = vector.broadcast %max3A_267 : f32 to vector<16xf32>
      %max3A_269 = arith.maximumf %add3A_266, %max3A_268 : vector<16xf32>
      %add3A_270 = arith.addf %add3A_190, %max3A_269 : vector<16xf32>
      %add3A_271 = arith.constant 10240 : i32
      %add3A_272 = vector.broadcast %add3A_271 : i32 to vector<16xi32>
      %add3A_273 = arith.addi %get3A_251, %add3A_272 : vector<16xi32>
      %gather3A_274 = tpu.vector_load_idx %arg6[%add3A_273] : memref<40960xi32, #tpu.memory_space<vmem>>[vector<16xi32>], vector<16xi32>,
      %shift_left3A_275 = arith.constant 16 : i32
      %shift_left3A_276 = vector.broadcast %shift_left3A_275 : i32 to vector<16xi32>
      %shift_left3A_277 = arith.shli %gather3A_274, %shift_left3A_276 : vector<16xi32>
      %bitcast3A_278 = vector.bitcast %shift_left3A_277 : vector<16xi32> to vector<16xf32>
      %bitcast3A_279 = vector.bitcast %gather3A_274 : vector<16xi32> to vector<16xf32>
      %add3A_280 = arith.addf %bitcast3A_278, %get3A_66 : vector<16xf32>
      %max3A_281 = arith.constant 0.000000e+00 : f32
      %max3A_282 = vector.broadcast %max3A_281 : f32 to vector<16xf32>
      %max3A_283 = arith.maximumf %add3A_280, %max3A_282 : vector<16xf32>
      %add3A_284 = arith.addf %add3A_204, %max3A_283 : vector<16xf32>
      %add3A_285 = arith.addf %bitcast3A_279, %get3A_82 : vector<16xf32>
      %max3A_286 = arith.constant 0.000000e+00 : f32
      %max3A_287 = vector.broadcast %max3A_286 : f32 to vector<16xf32>
      %max3A_288 = arith.maximumf %add3A_285, %max3A_287 : vector<16xf32>
      %add3A_289 = arith.addf %add3A_209, %max3A_288 : vector<16xf32>
      %add3A_290 = arith.constant 20480 : i32
      %add3A_291 = vector.broadcast %add3A_290 : i32 to vector<16xi32>
      %add3A_292 = arith.addi %get3A_251, %add3A_291 : vector<16xi32>
      %gather3A_293 = tpu.vector_load_idx %arg6[%add3A_292] : memref<40960xi32, #tpu.memory_space<vmem>>[vector<16xi32>], vector<16xi32>,
      %shift_left3A_294 = arith.constant 16 : i32
      %shift_left3A_295 = vector.broadcast %shift_left3A_294 : i32 to vector<16xi32>
      %shift_left3A_296 = arith.shli %gather3A_293, %shift_left3A_295 : vector<16xi32>
      %bitcast3A_297 = vector.bitcast %shift_left3A_296 : vector<16xi32> to vector<16xf32>
      %bitcast3A_298 = vector.bitcast %gather3A_293 : vector<16xi32> to vector<16xf32>
      %add3A_299 = arith.addf %bitcast3A_297, %get3A_70 : vector<16xf32>
      %max3A_300 = arith.constant 0.000000e+00 : f32
      %max3A_301 = vector.broadcast %max3A_300 : f32 to vector<16xf32>
      %max3A_302 = arith.maximumf %add3A_299, %max3A_301 : vector<16xf32>
      %add3A_303 = arith.addf %add3A_223, %max3A_302 : vector<16xf32>
      %add3A_304 = arith.addf %bitcast3A_298, %get3A_86 : vector<16xf32>
      %max3A_305 = arith.constant 0.000000e+00 : f32
      %max3A_306 = vector.broadcast %max3A_305 : f32 to vector<16xf32>
      %max3A_307 = arith.maximumf %add3A_304, %max3A_306 : vector<16xf32>
      %add3A_308 = arith.addf %add3A_228, %max3A_307 : vector<16xf32>
      %add3A_309 = arith.constant 30720 : i32
      %add3A_310 = vector.broadcast %add3A_309 : i32 to vector<16xi32>
      %add3A_311 = arith.addi %get3A_251, %add3A_310 : vector<16xi32>
      %gather3A_312 = tpu.vector_load_idx %arg6[%add3A_311] : memref<40960xi32, #tpu.memory_space<vmem>>[vector<16xi32>], vector<16xi32>,
      %shift_left3A_313 = arith.constant 16 : i32
      %shift_left3A_314 = vector.broadcast %shift_left3A_313 : i32 to vector<16xi32>
      %shift_left3A_315 = arith.shli %gather3A_312, %shift_left3A_314 : vector<16xi32>
      %bitcast3A_316 = vector.bitcast %shift_left3A_315 : vector<16xi32> to vector<16xf32>
      %bitcast3A_317 = vector.bitcast %gather3A_312 : vector<16xi32> to vector<16xf32>
      %add3A_318 = arith.addf %bitcast3A_316, %get3A_74 : vector<16xf32>
      %max3A_319 = arith.constant 0.000000e+00 : f32
      %max3A_320 = vector.broadcast %max3A_319 : f32 to vector<16xf32>
      %max3A_321 = arith.maximumf %add3A_318, %max3A_320 : vector<16xf32>
      %add3A_322 = arith.addf %add3A_242, %max3A_321 : vector<16xf32>
      %add3A_323 = arith.addf %bitcast3A_317, %get3A_90 : vector<16xf32>
      %max3A_324 = arith.constant 0.000000e+00 : f32
      %max3A_325 = vector.broadcast %max3A_324 : f32 to vector<16xf32>
      %max3A_326 = arith.maximumf %add3A_323, %max3A_325 : vector<16xf32>
      %add3A_327 = arith.addf %add3A_247, %max3A_326 : vector<16xf32>
      %get3A_328 = arith.constant 3 : i32
      %get3A_329 = arith.index_cast %get3A_328 : i32 to index
      %get3A_330 = arith.index_cast %multiple_of3A : i32 to index
      %get3A_331 = tpu.vector_load %arg8[%get3A_329, %get3A_330] {strides = array<i32>} : memref<16x1280xi32, #tpu.memory_space<vmem>>, vector<16xi32>,
      %add3A_332 = arith.constant 0 : i32
      %add3A_333 = vector.broadcast %add3A_332 : i32 to vector<16xi32>
      %add3A_334 = arith.addi %get3A_331, %add3A_333 : vector<16xi32>
      %gather3A_335 = tpu.vector_load_idx %arg6[%add3A_334] : memref<40960xi32, #tpu.memory_space<vmem>>[vector<16xi32>], vector<16xi32>,
      %shift_left3A_336 = arith.constant 16 : i32
      %shift_left3A_337 = vector.broadcast %shift_left3A_336 : i32 to vector<16xi32>
      %shift_left3A_338 = arith.shli %gather3A_335, %shift_left3A_337 : vector<16xi32>
      %bitcast3A_339 = vector.bitcast %shift_left3A_338 : vector<16xi32> to vector<16xf32>
      %bitcast3A_340 = vector.bitcast %gather3A_335 : vector<16xi32> to vector<16xf32>
      %add3A_341 = arith.addf %bitcast3A_339, %get3A_62 : vector<16xf32>
      %max3A_342 = arith.constant 0.000000e+00 : f32
      %max3A_343 = vector.broadcast %max3A_342 : f32 to vector<16xf32>
      %max3A_344 = arith.maximumf %add3A_341, %max3A_343 : vector<16xf32>
      %add3A_345 = arith.addf %add3A_265, %max3A_344 : vector<16xf32>
      %add3A_346 = arith.addf %bitcast3A_340, %get3A_78 : vector<16xf32>
      %max3A_347 = arith.constant 0.000000e+00 : f32
      %max3A_348 = vector.broadcast %max3A_347 : f32 to vector<16xf32>
      %max3A_349 = arith.maximumf %add3A_346, %max3A_348 : vector<16xf32>
      %add3A_350 = arith.addf %add3A_270, %max3A_349 : vector<16xf32>
      %add3A_351 = arith.constant 10240 : i32
      %add3A_352 = vector.broadcast %add3A_351 : i32 to vector<16xi32>
      %add3A_353 = arith.addi %get3A_331, %add3A_352 : vector<16xi32>
      %gather3A_354 = tpu.vector_load_idx %arg6[%add3A_353] : memref<40960xi32, #tpu.memory_space<vmem>>[vector<16xi32>], vector<16xi32>,
      %shift_left3A_355 = arith.constant 16 : i32
      %shift_left3A_356 = vector.broadcast %shift_left3A_355 : i32 to vector<16xi32>
      %shift_left3A_357 = arith.shli %gather3A_354, %shift_left3A_356 : vector<16xi32>
      %bitcast3A_358 = vector.bitcast %shift_left3A_357 : vector<16xi32> to vector<16xf32>
      %bitcast3A_359 = vector.bitcast %gather3A_354 : vector<16xi32> to vector<16xf32>
      %add3A_360 = arith.addf %bitcast3A_358, %get3A_66 : vector<16xf32>
      %max3A_361 = arith.constant 0.000000e+00 : f32
      %max3A_362 = vector.broadcast %max3A_361 : f32 to vector<16xf32>
      %max3A_363 = arith.maximumf %add3A_360, %max3A_362 : vector<16xf32>
      %add3A_364 = arith.addf %add3A_284, %max3A_363 : vector<16xf32>
      %add3A_365 = arith.addf %bitcast3A_359, %get3A_82 : vector<16xf32>
      %max3A_366 = arith.constant 0.000000e+00 : f32
      %max3A_367 = vector.broadcast %max3A_366 : f32 to vector<16xf32>
      %max3A_368 = arith.maximumf %add3A_365, %max3A_367 : vector<16xf32>
      %add3A_369 = arith.addf %add3A_289, %max3A_368 : vector<16xf32>
      %add3A_370 = arith.constant 20480 : i32
      %add3A_371 = vector.broadcast %add3A_370 : i32 to vector<16xi32>
      %add3A_372 = arith.addi %get3A_331, %add3A_371 : vector<16xi32>
      %gather3A_373 = tpu.vector_load_idx %arg6[%add3A_372] : memref<40960xi32, #tpu.memory_space<vmem>>[vector<16xi32>], vector<16xi32>,
      %shift_left3A_374 = arith.constant 16 : i32
      %shift_left3A_375 = vector.broadcast %shift_left3A_374 : i32 to vector<16xi32>
      %shift_left3A_376 = arith.shli %gather3A_373, %shift_left3A_375 : vector<16xi32>
      %bitcast3A_377 = vector.bitcast %shift_left3A_376 : vector<16xi32> to vector<16xf32>
      %bitcast3A_378 = vector.bitcast %gather3A_373 : vector<16xi32> to vector<16xf32>
      %add3A_379 = arith.addf %bitcast3A_377, %get3A_70 : vector<16xf32>
      %max3A_380 = arith.constant 0.000000e+00 : f32
      %max3A_381 = vector.broadcast %max3A_380 : f32 to vector<16xf32>
      %max3A_382 = arith.maximumf %add3A_379, %max3A_381 : vector<16xf32>
      %add3A_383 = arith.addf %add3A_303, %max3A_382 : vector<16xf32>
      %add3A_384 = arith.addf %bitcast3A_378, %get3A_86 : vector<16xf32>
      %max3A_385 = arith.constant 0.000000e+00 : f32
      %max3A_386 = vector.broadcast %max3A_385 : f32 to vector<16xf32>
      %max3A_387 = arith.maximumf %add3A_384, %max3A_386 : vector<16xf32>
      %add3A_388 = arith.addf %add3A_308, %max3A_387 : vector<16xf32>
      %add3A_389 = arith.constant 30720 : i32
      %add3A_390 = vector.broadcast %add3A_389 : i32 to vector<16xi32>
      %add3A_391 = arith.addi %get3A_331, %add3A_390 : vector<16xi32>
      %gather3A_392 = tpu.vector_load_idx %arg6[%add3A_391] : memref<40960xi32, #tpu.memory_space<vmem>>[vector<16xi32>], vector<16xi32>,
      %shift_left3A_393 = arith.constant 16 : i32
      %shift_left3A_394 = vector.broadcast %shift_left3A_393 : i32 to vector<16xi32>
      %shift_left3A_395 = arith.shli %gather3A_392, %shift_left3A_394 : vector<16xi32>
      %bitcast3A_396 = vector.bitcast %shift_left3A_395 : vector<16xi32> to vector<16xf32>
      %bitcast3A_397 = vector.bitcast %gather3A_392 : vector<16xi32> to vector<16xf32>
      %add3A_398 = arith.addf %bitcast3A_396, %get3A_74 : vector<16xf32>
      %max3A_399 = arith.constant 0.000000e+00 : f32
      %max3A_400 = vector.broadcast %max3A_399 : f32 to vector<16xf32>
      %max3A_401 = arith.maximumf %add3A_398, %max3A_400 : vector<16xf32>
      %add3A_402 = arith.addf %add3A_322, %max3A_401 : vector<16xf32>
      %add3A_403 = arith.addf %bitcast3A_397, %get3A_90 : vector<16xf32>
      %max3A_404 = arith.constant 0.000000e+00 : f32
      %max3A_405 = vector.broadcast %max3A_404 : f32 to vector<16xf32>
      %max3A_406 = arith.maximumf %add3A_403, %max3A_405 : vector<16xf32>
      %add3A_407 = arith.addf %add3A_327, %max3A_406 : vector<16xf32>
      %get3A_408 = arith.constant 4 : i32
      %get3A_409 = arith.index_cast %get3A_408 : i32 to index
      %get3A_410 = arith.index_cast %multiple_of3A : i32 to index
      %get3A_411 = tpu.vector_load %arg8[%get3A_409, %get3A_410] {strides = array<i32>} : memref<16x1280xi32, #tpu.memory_space<vmem>>, vector<16xi32>,
      %add3A_412 = arith.constant 0 : i32
      %add3A_413 = vector.broadcast %add3A_412 : i32 to vector<16xi32>
      %add3A_414 = arith.addi %get3A_411, %add3A_413 : vector<16xi32>
      %gather3A_415 = tpu.vector_load_idx %arg6[%add3A_414] : memref<40960xi32, #tpu.memory_space<vmem>>[vector<16xi32>], vector<16xi32>,
      %shift_left3A_416 = arith.constant 16 : i32
      %shift_left3A_417 = vector.broadcast %shift_left3A_416 : i32 to vector<16xi32>
      %shift_left3A_418 = arith.shli %gather3A_415, %shift_left3A_417 : vector<16xi32>
      %bitcast3A_419 = vector.bitcast %shift_left3A_418 : vector<16xi32> to vector<16xf32>
      %bitcast3A_420 = vector.bitcast %gather3A_415 : vector<16xi32> to vector<16xf32>
      %add3A_421 = arith.addf %bitcast3A_419, %get3A_62 : vector<16xf32>
      %max3A_422 = arith.constant 0.000000e+00 : f32
      %max3A_423 = vector.broadcast %max3A_422 : f32 to vector<16xf32>
      %max3A_424 = arith.maximumf %add3A_421, %max3A_423 : vector<16xf32>
      %add3A_425 = arith.addf %add3A_345, %max3A_424 : vector<16xf32>
      %add3A_426 = arith.addf %bitcast3A_420, %get3A_78 : vector<16xf32>
      %max3A_427 = arith.constant 0.000000e+00 : f32
      %max3A_428 = vector.broadcast %max3A_427 : f32 to vector<16xf32>
      %max3A_429 = arith.maximumf %add3A_426, %max3A_428 : vector<16xf32>
      %add3A_430 = arith.addf %add3A_350, %max3A_429 : vector<16xf32>
      %add3A_431 = arith.constant 10240 : i32
      %add3A_432 = vector.broadcast %add3A_431 : i32 to vector<16xi32>
      %add3A_433 = arith.addi %get3A_411, %add3A_432 : vector<16xi32>
      %gather3A_434 = tpu.vector_load_idx %arg6[%add3A_433] : memref<40960xi32, #tpu.memory_space<vmem>>[vector<16xi32>], vector<16xi32>,
      %shift_left3A_435 = arith.constant 16 : i32
      %shift_left3A_436 = vector.broadcast %shift_left3A_435 : i32 to vector<16xi32>
      %shift_left3A_437 = arith.shli %gather3A_434, %shift_left3A_436 : vector<16xi32>
      %bitcast3A_438 = vector.bitcast %shift_left3A_437 : vector<16xi32> to vector<16xf32>
      %bitcast3A_439 = vector.bitcast %gather3A_434 : vector<16xi32> to vector<16xf32>
      %add3A_440 = arith.addf %bitcast3A_438, %get3A_66 : vector<16xf32>
      %max3A_441 = arith.constant 0.000000e+00 : f32
      %max3A_442 = vector.broadcast %max3A_441 : f32 to vector<16xf32>
      %max3A_443 = arith.maximumf %add3A_440, %max3A_442 : vector<16xf32>
      %add3A_444 = arith.addf %add3A_364, %max3A_443 : vector<16xf32>
      %add3A_445 = arith.addf %bitcast3A_439, %get3A_82 : vector<16xf32>
      %max3A_446 = arith.constant 0.000000e+00 : f32
      %max3A_447 = vector.broadcast %max3A_446 : f32 to vector<16xf32>
      %max3A_448 = arith.maximumf %add3A_445, %max3A_447 : vector<16xf32>
      %add3A_449 = arith.addf %add3A_369, %max3A_448 : vector<16xf32>
      %add3A_450 = arith.constant 20480 : i32
      %add3A_451 = vector.broadcast %add3A_450 : i32 to vector<16xi32>
      %add3A_452 = arith.addi %get3A_411, %add3A_451 : vector<16xi32>
      %gather3A_453 = tpu.vector_load_idx %arg6[%add3A_452] : memref<40960xi32, #tpu.memory_space<vmem>>[vector<16xi32>], vector<16xi32>,
      %shift_left3A_454 = arith.constant 16 : i32
      %shift_left3A_455 = vector.broadcast %shift_left3A_454 : i32 to vector<16xi32>
      %shift_left3A_456 = arith.shli %gather3A_453, %shift_left3A_455 : vector<16xi32>
      %bitcast3A_457 = vector.bitcast %shift_left3A_456 : vector<16xi32> to vector<16xf32>
      %bitcast3A_458 = vector.bitcast %gather3A_453 : vector<16xi32> to vector<16xf32>
      %add3A_459 = arith.addf %bitcast3A_457, %get3A_70 : vector<16xf32>
      %max3A_460 = arith.constant 0.000000e+00 : f32
      %max3A_461 = vector.broadcast %max3A_460 : f32 to vector<16xf32>
      %max3A_462 = arith.maximumf %add3A_459, %max3A_461 : vector<16xf32>
      %add3A_463 = arith.addf %add3A_383, %max3A_462 : vector<16xf32>
      %add3A_464 = arith.addf %bitcast3A_458, %get3A_86 : vector<16xf32>
      %max3A_465 = arith.constant 0.000000e+00 : f32
      %max3A_466 = vector.broadcast %max3A_465 : f32 to vector<16xf32>
      %max3A_467 = arith.maximumf %add3A_464, %max3A_466 : vector<16xf32>
      %add3A_468 = arith.addf %add3A_388, %max3A_467 : vector<16xf32>
      %add3A_469 = arith.constant 30720 : i32
      %add3A_470 = vector.broadcast %add3A_469 : i32 to vector<16xi32>
      %add3A_471 = arith.addi %get3A_411, %add3A_470 : vector<16xi32>
      %gather3A_472 = tpu.vector_load_idx %arg6[%add3A_471] : memref<40960xi32, #tpu.memory_space<vmem>>[vector<16xi32>], vector<16xi32>,
      %shift_left3A_473 = arith.constant 16 : i32
      %shift_left3A_474 = vector.broadcast %shift_left3A_473 : i32 to vector<16xi32>
      %shift_left3A_475 = arith.shli %gather3A_472, %shift_left3A_474 : vector<16xi32>
      %bitcast3A_476 = vector.bitcast %shift_left3A_475 : vector<16xi32> to vector<16xf32>
      %bitcast3A_477 = vector.bitcast %gather3A_472 : vector<16xi32> to vector<16xf32>
      %add3A_478 = arith.addf %bitcast3A_476, %get3A_74 : vector<16xf32>
      %max3A_479 = arith.constant 0.000000e+00 : f32
      %max3A_480 = vector.broadcast %max3A_479 : f32 to vector<16xf32>
      %max3A_481 = arith.maximumf %add3A_478, %max3A_480 : vector<16xf32>
      %add3A_482 = arith.addf %add3A_402, %max3A_481 : vector<16xf32>
      %add3A_483 = arith.addf %bitcast3A_477, %get3A_90 : vector<16xf32>
      %max3A_484 = arith.constant 0.000000e+00 : f32
      %max3A_485 = vector.broadcast %max3A_484 : f32 to vector<16xf32>
      %max3A_486 = arith.maximumf %add3A_483, %max3A_485 : vector<16xf32>
      %add3A_487 = arith.addf %add3A_407, %max3A_486 : vector<16xf32>
      %get3A_488 = arith.constant 5 : i32
      %get3A_489 = arith.index_cast %get3A_488 : i32 to index
      %get3A_490 = arith.index_cast %multiple_of3A : i32 to index
      %get3A_491 = tpu.vector_load %arg8[%get3A_489, %get3A_490] {strides = array<i32>} : memref<16x1280xi32, #tpu.memory_space<vmem>>, vector<16xi32>,
      %add3A_492 = arith.constant 0 : i32
      %add3A_493 = vector.broadcast %add3A_492 : i32 to vector<16xi32>
      %add3A_494 = arith.addi %get3A_491, %add3A_493 : vector<16xi32>
      %gather3A_495 = tpu.vector_load_idx %arg6[%add3A_494] : memref<40960xi32, #tpu.memory_space<vmem>>[vector<16xi32>], vector<16xi32>,
      %shift_left3A_496 = arith.constant 16 : i32
      %shift_left3A_497 = vector.broadcast %shift_left3A_496 : i32 to vector<16xi32>
      %shift_left3A_498 = arith.shli %gather3A_495, %shift_left3A_497 : vector<16xi32>
      %bitcast3A_499 = vector.bitcast %shift_left3A_498 : vector<16xi32> to vector<16xf32>
      %bitcast3A_500 = vector.bitcast %gather3A_495 : vector<16xi32> to vector<16xf32>
      %add3A_501 = arith.addf %bitcast3A_499, %get3A_62 : vector<16xf32>
      %max3A_502 = arith.constant 0.000000e+00 : f32
      %max3A_503 = vector.broadcast %max3A_502 : f32 to vector<16xf32>
      %max3A_504 = arith.maximumf %add3A_501, %max3A_503 : vector<16xf32>
      %add3A_505 = arith.addf %add3A_425, %max3A_504 : vector<16xf32>
      %add3A_506 = arith.addf %bitcast3A_500, %get3A_78 : vector<16xf32>
      %max3A_507 = arith.constant 0.000000e+00 : f32
      %max3A_508 = vector.broadcast %max3A_507 : f32 to vector<16xf32>
      %max3A_509 = arith.maximumf %add3A_506, %max3A_508 : vector<16xf32>
      %add3A_510 = arith.addf %add3A_430, %max3A_509 : vector<16xf32>
      %add3A_511 = arith.constant 10240 : i32
      %add3A_512 = vector.broadcast %add3A_511 : i32 to vector<16xi32>
      %add3A_513 = arith.addi %get3A_491, %add3A_512 : vector<16xi32>
      %gather3A_514 = tpu.vector_load_idx %arg6[%add3A_513] : memref<40960xi32, #tpu.memory_space<vmem>>[vector<16xi32>], vector<16xi32>,
      %shift_left3A_515 = arith.constant 16 : i32
      %shift_left3A_516 = vector.broadcast %shift_left3A_515 : i32 to vector<16xi32>
      %shift_left3A_517 = arith.shli %gather3A_514, %shift_left3A_516 : vector<16xi32>
      %bitcast3A_518 = vector.bitcast %shift_left3A_517 : vector<16xi32> to vector<16xf32>
      %bitcast3A_519 = vector.bitcast %gather3A_514 : vector<16xi32> to vector<16xf32>
      %add3A_520 = arith.addf %bitcast3A_518, %get3A_66 : vector<16xf32>
      %max3A_521 = arith.constant 0.000000e+00 : f32
      %max3A_522 = vector.broadcast %max3A_521 : f32 to vector<16xf32>
      %max3A_523 = arith.maximumf %add3A_520, %max3A_522 : vector<16xf32>
      %add3A_524 = arith.addf %add3A_444, %max3A_523 : vector<16xf32>
      %add3A_525 = arith.addf %bitcast3A_519, %get3A_82 : vector<16xf32>
      %max3A_526 = arith.constant 0.000000e+00 : f32
      %max3A_527 = vector.broadcast %max3A_526 : f32 to vector<16xf32>
      %max3A_528 = arith.maximumf %add3A_525, %max3A_527 : vector<16xf32>
      %add3A_529 = arith.addf %add3A_449, %max3A_528 : vector<16xf32>
      %add3A_530 = arith.constant 20480 : i32
      %add3A_531 = vector.broadcast %add3A_530 : i32 to vector<16xi32>
      %add3A_532 = arith.addi %get3A_491, %add3A_531 : vector<16xi32>
      %gather3A_533 = tpu.vector_load_idx %arg6[%add3A_532] : memref<40960xi32, #tpu.memory_space<vmem>>[vector<16xi32>], vector<16xi32>,
      %shift_left3A_534 = arith.constant 16 : i32
      %shift_left3A_535 = vector.broadcast %shift_left3A_534 : i32 to vector<16xi32>
      %shift_left3A_536 = arith.shli %gather3A_533, %shift_left3A_535 : vector<16xi32>
      %bitcast3A_537 = vector.bitcast %shift_left3A_536 : vector<16xi32> to vector<16xf32>
      %bitcast3A_538 = vector.bitcast %gather3A_533 : vector<16xi32> to vector<16xf32>
      %add3A_539 = arith.addf %bitcast3A_537, %get3A_70 : vector<16xf32>
      %max3A_540 = arith.constant 0.000000e+00 : f32
      %max3A_541 = vector.broadcast %max3A_540 : f32 to vector<16xf32>
      %max3A_542 = arith.maximumf %add3A_539, %max3A_541 : vector<16xf32>
      %add3A_543 = arith.addf %add3A_463, %max3A_542 : vector<16xf32>
      %add3A_544 = arith.addf %bitcast3A_538, %get3A_86 : vector<16xf32>
      %max3A_545 = arith.constant 0.000000e+00 : f32
      %max3A_546 = vector.broadcast %max3A_545 : f32 to vector<16xf32>
      %max3A_547 = arith.maximumf %add3A_544, %max3A_546 : vector<16xf32>
      %add3A_548 = arith.addf %add3A_468, %max3A_547 : vector<16xf32>
      %add3A_549 = arith.constant 30720 : i32
      %add3A_550 = vector.broadcast %add3A_549 : i32 to vector<16xi32>
      %add3A_551 = arith.addi %get3A_491, %add3A_550 : vector<16xi32>
      %gather3A_552 = tpu.vector_load_idx %arg6[%add3A_551] : memref<40960xi32, #tpu.memory_space<vmem>>[vector<16xi32>], vector<16xi32>,
      %shift_left3A_553 = arith.constant 16 : i32
      %shift_left3A_554 = vector.broadcast %shift_left3A_553 : i32 to vector<16xi32>
      %shift_left3A_555 = arith.shli %gather3A_552, %shift_left3A_554 : vector<16xi32>
      %bitcast3A_556 = vector.bitcast %shift_left3A_555 : vector<16xi32> to vector<16xf32>
      %bitcast3A_557 = vector.bitcast %gather3A_552 : vector<16xi32> to vector<16xf32>
      %add3A_558 = arith.addf %bitcast3A_556, %get3A_74 : vector<16xf32>
      %max3A_559 = arith.constant 0.000000e+00 : f32
      %max3A_560 = vector.broadcast %max3A_559 : f32 to vector<16xf32>
      %max3A_561 = arith.maximumf %add3A_558, %max3A_560 : vector<16xf32>
      %add3A_562 = arith.addf %add3A_482, %max3A_561 : vector<16xf32>
      %add3A_563 = arith.addf %bitcast3A_557, %get3A_90 : vector<16xf32>
      %max3A_564 = arith.constant 0.000000e+00 : f32
      %max3A_565 = vector.broadcast %max3A_564 : f32 to vector<16xf32>
      %max3A_566 = arith.maximumf %add3A_563, %max3A_565 : vector<16xf32>
      %add3A_567 = arith.addf %add3A_487, %max3A_566 : vector<16xf32>
      %get3A_568 = arith.constant 6 : i32
      %get3A_569 = arith.index_cast %get3A_568 : i32 to index
      %get3A_570 = arith.index_cast %multiple_of3A : i32 to index
      %get3A_571 = tpu.vector_load %arg8[%get3A_569, %get3A_570] {strides = array<i32>} : memref<16x1280xi32, #tpu.memory_space<vmem>>, vector<16xi32>,
      %add3A_572 = arith.constant 0 : i32
      %add3A_573 = vector.broadcast %add3A_572 : i32 to vector<16xi32>
      %add3A_574 = arith.addi %get3A_571, %add3A_573 : vector<16xi32>
      %gather3A_575 = tpu.vector_load_idx %arg6[%add3A_574] : memref<40960xi32, #tpu.memory_space<vmem>>[vector<16xi32>], vector<16xi32>,
      %shift_left3A_576 = arith.constant 16 : i32
      %shift_left3A_577 = vector.broadcast %shift_left3A_576 : i32 to vector<16xi32>
      %shift_left3A_578 = arith.shli %gather3A_575, %shift_left3A_577 : vector<16xi32>
      %bitcast3A_579 = vector.bitcast %shift_left3A_578 : vector<16xi32> to vector<16xf32>
      %bitcast3A_580 = vector.bitcast %gather3A_575 : vector<16xi32> to vector<16xf32>
      %add3A_581 = arith.addf %bitcast3A_579, %get3A_62 : vector<16xf32>
      %max3A_582 = arith.constant 0.000000e+00 : f32
      %max3A_583 = vector.broadcast %max3A_582 : f32 to vector<16xf32>
      %max3A_584 = arith.maximumf %add3A_581, %max3A_583 : vector<16xf32>
      %add3A_585 = arith.addf %add3A_505, %max3A_584 : vector<16xf32>
      %add3A_586 = arith.addf %bitcast3A_580, %get3A_78 : vector<16xf32>
      %max3A_587 = arith.constant 0.000000e+00 : f32
      %max3A_588 = vector.broadcast %max3A_587 : f32 to vector<16xf32>
      %max3A_589 = arith.maximumf %add3A_586, %max3A_588 : vector<16xf32>
      %add3A_590 = arith.addf %add3A_510, %max3A_589 : vector<16xf32>
      %add3A_591 = arith.constant 10240 : i32
      %add3A_592 = vector.broadcast %add3A_591 : i32 to vector<16xi32>
      %add3A_593 = arith.addi %get3A_571, %add3A_592 : vector<16xi32>
      %gather3A_594 = tpu.vector_load_idx %arg6[%add3A_593] : memref<40960xi32, #tpu.memory_space<vmem>>[vector<16xi32>], vector<16xi32>,
      %shift_left3A_595 = arith.constant 16 : i32
      %shift_left3A_596 = vector.broadcast %shift_left3A_595 : i32 to vector<16xi32>
      %shift_left3A_597 = arith.shli %gather3A_594, %shift_left3A_596 : vector<16xi32>
      %bitcast3A_598 = vector.bitcast %shift_left3A_597 : vector<16xi32> to vector<16xf32>
      %bitcast3A_599 = vector.bitcast %gather3A_594 : vector<16xi32> to vector<16xf32>
      %add3A_600 = arith.addf %bitcast3A_598, %get3A_66 : vector<16xf32>
      %max3A_601 = arith.constant 0.000000e+00 : f32
      %max3A_602 = vector.broadcast %max3A_601 : f32 to vector<16xf32>
      %max3A_603 = arith.maximumf %add3A_600, %max3A_602 : vector<16xf32>
      %add3A_604 = arith.addf %add3A_524, %max3A_603 : vector<16xf32>
      %add3A_605 = arith.addf %bitcast3A_599, %get3A_82 : vector<16xf32>
      %max3A_606 = arith.constant 0.000000e+00 : f32
      %max3A_607 = vector.broadcast %max3A_606 : f32 to vector<16xf32>
      %max3A_608 = arith.maximumf %add3A_605, %max3A_607 : vector<16xf32>
      %add3A_609 = arith.addf %add3A_529, %max3A_608 : vector<16xf32>
      %add3A_610 = arith.constant 20480 : i32
      %add3A_611 = vector.broadcast %add3A_610 : i32 to vector<16xi32>
      %add3A_612 = arith.addi %get3A_571, %add3A_611 : vector<16xi32>
      %gather3A_613 = tpu.vector_load_idx %arg6[%add3A_612] : memref<40960xi32, #tpu.memory_space<vmem>>[vector<16xi32>], vector<16xi32>,
      %shift_left3A_614 = arith.constant 16 : i32
      %shift_left3A_615 = vector.broadcast %shift_left3A_614 : i32 to vector<16xi32>
      %shift_left3A_616 = arith.shli %gather3A_613, %shift_left3A_615 : vector<16xi32>
      %bitcast3A_617 = vector.bitcast %shift_left3A_616 : vector<16xi32> to vector<16xf32>
      %bitcast3A_618 = vector.bitcast %gather3A_613 : vector<16xi32> to vector<16xf32>
      %add3A_619 = arith.addf %bitcast3A_617, %get3A_70 : vector<16xf32>
      %max3A_620 = arith.constant 0.000000e+00 : f32
      %max3A_621 = vector.broadcast %max3A_620 : f32 to vector<16xf32>
      %max3A_622 = arith.maximumf %add3A_619, %max3A_621 : vector<16xf32>
      %add3A_623 = arith.addf %add3A_543, %max3A_622 : vector<16xf32>
      %add3A_624 = arith.addf %bitcast3A_618, %get3A_86 : vector<16xf32>
      %max3A_625 = arith.constant 0.000000e+00 : f32
      %max3A_626 = vector.broadcast %max3A_625 : f32 to vector<16xf32>
      %max3A_627 = arith.maximumf %add3A_624, %max3A_626 : vector<16xf32>
      %add3A_628 = arith.addf %add3A_548, %max3A_627 : vector<16xf32>
      %add3A_629 = arith.constant 30720 : i32
      %add3A_630 = vector.broadcast %add3A_629 : i32 to vector<16xi32>
      %add3A_631 = arith.addi %get3A_571, %add3A_630 : vector<16xi32>
      %gather3A_632 = tpu.vector_load_idx %arg6[%add3A_631] : memref<40960xi32, #tpu.memory_space<vmem>>[vector<16xi32>], vector<16xi32>,
      %shift_left3A_633 = arith.constant 16 : i32
      %shift_left3A_634 = vector.broadcast %shift_left3A_633 : i32 to vector<16xi32>
      %shift_left3A_635 = arith.shli %gather3A_632, %shift_left3A_634 : vector<16xi32>
      %bitcast3A_636 = vector.bitcast %shift_left3A_635 : vector<16xi32> to vector<16xf32>
      %bitcast3A_637 = vector.bitcast %gather3A_632 : vector<16xi32> to vector<16xf32>
      %add3A_638 = arith.addf %bitcast3A_636, %get3A_74 : vector<16xf32>
      %max3A_639 = arith.constant 0.000000e+00 : f32
      %max3A_640 = vector.broadcast %max3A_639 : f32 to vector<16xf32>
      %max3A_641 = arith.maximumf %add3A_638, %max3A_640 : vector<16xf32>
      %add3A_642 = arith.addf %add3A_562, %max3A_641 : vector<16xf32>
      %add3A_643 = arith.addf %bitcast3A_637, %get3A_90 : vector<16xf32>
      %max3A_644 = arith.constant 0.000000e+00 : f32
      %max3A_645 = vector.broadcast %max3A_644 : f32 to vector<16xf32>
      %max3A_646 = arith.maximumf %add3A_643, %max3A_645 : vector<16xf32>
      %add3A_647 = arith.addf %add3A_567, %max3A_646 : vector<16xf32>
      %get3A_648 = arith.constant 7 : i32
      %get3A_649 = arith.index_cast %get3A_648 : i32 to index
      %get3A_650 = arith.index_cast %multiple_of3A : i32 to index
      %get3A_651 = tpu.vector_load %arg8[%get3A_649, %get3A_650] {strides = array<i32>} : memref<16x1280xi32, #tpu.memory_space<vmem>>, vector<16xi32>,
      %add3A_652 = arith.constant 0 : i32
      %add3A_653 = vector.broadcast %add3A_652 : i32 to vector<16xi32>
      %add3A_654 = arith.addi %get3A_651, %add3A_653 : vector<16xi32>
      %gather3A_655 = tpu.vector_load_idx %arg6[%add3A_654] : memref<40960xi32, #tpu.memory_space<vmem>>[vector<16xi32>], vector<16xi32>,
      %shift_left3A_656 = arith.constant 16 : i32
      %shift_left3A_657 = vector.broadcast %shift_left3A_656 : i32 to vector<16xi32>
      %shift_left3A_658 = arith.shli %gather3A_655, %shift_left3A_657 : vector<16xi32>
      %bitcast3A_659 = vector.bitcast %shift_left3A_658 : vector<16xi32> to vector<16xf32>
      %bitcast3A_660 = vector.bitcast %gather3A_655 : vector<16xi32> to vector<16xf32>
      %add3A_661 = arith.addf %bitcast3A_659, %get3A_62 : vector<16xf32>
      %max3A_662 = arith.constant 0.000000e+00 : f32
      %max3A_663 = vector.broadcast %max3A_662 : f32 to vector<16xf32>
      %max3A_664 = arith.maximumf %add3A_661, %max3A_663 : vector<16xf32>
      %add3A_665 = arith.addf %add3A_585, %max3A_664 : vector<16xf32>
      %add3A_666 = arith.addf %bitcast3A_660, %get3A_78 : vector<16xf32>
      %max3A_667 = arith.constant 0.000000e+00 : f32
      %max3A_668 = vector.broadcast %max3A_667 : f32 to vector<16xf32>
      %max3A_669 = arith.maximumf %add3A_666, %max3A_668 : vector<16xf32>
      %add3A_670 = arith.addf %add3A_590, %max3A_669 : vector<16xf32>
      %add3A_671 = arith.constant 10240 : i32
      %add3A_672 = vector.broadcast %add3A_671 : i32 to vector<16xi32>
      %add3A_673 = arith.addi %get3A_651, %add3A_672 : vector<16xi32>
      %gather3A_674 = tpu.vector_load_idx %arg6[%add3A_673] : memref<40960xi32, #tpu.memory_space<vmem>>[vector<16xi32>], vector<16xi32>,
      %shift_left3A_675 = arith.constant 16 : i32
      %shift_left3A_676 = vector.broadcast %shift_left3A_675 : i32 to vector<16xi32>
      %shift_left3A_677 = arith.shli %gather3A_674, %shift_left3A_676 : vector<16xi32>
      %bitcast3A_678 = vector.bitcast %shift_left3A_677 : vector<16xi32> to vector<16xf32>
      %bitcast3A_679 = vector.bitcast %gather3A_674 : vector<16xi32> to vector<16xf32>
      %add3A_680 = arith.addf %bitcast3A_678, %get3A_66 : vector<16xf32>
      %max3A_681 = arith.constant 0.000000e+00 : f32
      %max3A_682 = vector.broadcast %max3A_681 : f32 to vector<16xf32>
      %max3A_683 = arith.maximumf %add3A_680, %max3A_682 : vector<16xf32>
      %add3A_684 = arith.addf %add3A_604, %max3A_683 : vector<16xf32>
      %add3A_685 = arith.addf %bitcast3A_679, %get3A_82 : vector<16xf32>
      %max3A_686 = arith.constant 0.000000e+00 : f32
      %max3A_687 = vector.broadcast %max3A_686 : f32 to vector<16xf32>
      %max3A_688 = arith.maximumf %add3A_685, %max3A_687 : vector<16xf32>
      %add3A_689 = arith.addf %add3A_609, %max3A_688 : vector<16xf32>
      %add3A_690 = arith.constant 20480 : i32
      %add3A_691 = vector.broadcast %add3A_690 : i32 to vector<16xi32>
      %add3A_692 = arith.addi %get3A_651, %add3A_691 : vector<16xi32>
      %gather3A_693 = tpu.vector_load_idx %arg6[%add3A_692] : memref<40960xi32, #tpu.memory_space<vmem>>[vector<16xi32>], vector<16xi32>,
      %shift_left3A_694 = arith.constant 16 : i32
      %shift_left3A_695 = vector.broadcast %shift_left3A_694 : i32 to vector<16xi32>
      %shift_left3A_696 = arith.shli %gather3A_693, %shift_left3A_695 : vector<16xi32>
      %bitcast3A_697 = vector.bitcast %shift_left3A_696 : vector<16xi32> to vector<16xf32>
      %bitcast3A_698 = vector.bitcast %gather3A_693 : vector<16xi32> to vector<16xf32>
      %add3A_699 = arith.addf %bitcast3A_697, %get3A_70 : vector<16xf32>
      %max3A_700 = arith.constant 0.000000e+00 : f32
      %max3A_701 = vector.broadcast %max3A_700 : f32 to vector<16xf32>
      %max3A_702 = arith.maximumf %add3A_699, %max3A_701 : vector<16xf32>
      %add3A_703 = arith.addf %add3A_623, %max3A_702 : vector<16xf32>
      %add3A_704 = arith.addf %bitcast3A_698, %get3A_86 : vector<16xf32>
      %max3A_705 = arith.constant 0.000000e+00 : f32
      %max3A_706 = vector.broadcast %max3A_705 : f32 to vector<16xf32>
      %max3A_707 = arith.maximumf %add3A_704, %max3A_706 : vector<16xf32>
      %add3A_708 = arith.addf %add3A_628, %max3A_707 : vector<16xf32>
      %add3A_709 = arith.constant 30720 : i32
      %add3A_710 = vector.broadcast %add3A_709 : i32 to vector<16xi32>
      %add3A_711 = arith.addi %get3A_651, %add3A_710 : vector<16xi32>
      %gather3A_712 = tpu.vector_load_idx %arg6[%add3A_711] : memref<40960xi32, #tpu.memory_space<vmem>>[vector<16xi32>], vector<16xi32>,
      %shift_left3A_713 = arith.constant 16 : i32
      %shift_left3A_714 = vector.broadcast %shift_left3A_713 : i32 to vector<16xi32>
      %shift_left3A_715 = arith.shli %gather3A_712, %shift_left3A_714 : vector<16xi32>
      %bitcast3A_716 = vector.bitcast %shift_left3A_715 : vector<16xi32> to vector<16xf32>
      %bitcast3A_717 = vector.bitcast %gather3A_712 : vector<16xi32> to vector<16xf32>
      %add3A_718 = arith.addf %bitcast3A_716, %get3A_74 : vector<16xf32>
      %max3A_719 = arith.constant 0.000000e+00 : f32
      %max3A_720 = vector.broadcast %max3A_719 : f32 to vector<16xf32>
      %max3A_721 = arith.maximumf %add3A_718, %max3A_720 : vector<16xf32>
      %add3A_722 = arith.addf %add3A_642, %max3A_721 : vector<16xf32>
      %add3A_723 = arith.addf %bitcast3A_717, %get3A_90 : vector<16xf32>
      %max3A_724 = arith.constant 0.000000e+00 : f32
      %max3A_725 = vector.broadcast %max3A_724 : f32 to vector<16xf32>
      %max3A_726 = arith.maximumf %add3A_723, %max3A_725 : vector<16xf32>
      %add3A_727 = arith.addf %add3A_647, %max3A_726 : vector<16xf32>
      %get3A_728 = arith.constant 8 : i32
      %get3A_729 = arith.index_cast %get3A_728 : i32 to index
      %get3A_730 = arith.index_cast %multiple_of3A : i32 to index
      %get3A_731 = tpu.vector_load %arg8[%get3A_729, %get3A_730] {strides = array<i32>} : memref<16x1280xi32, #tpu.memory_space<vmem>>, vector<16xi32>,
      %add3A_732 = arith.constant 0 : i32
      %add3A_733 = vector.broadcast %add3A_732 : i32 to vector<16xi32>
      %add3A_734 = arith.addi %get3A_731, %add3A_733 : vector<16xi32>
      %gather3A_735 = tpu.vector_load_idx %arg6[%add3A_734] : memref<40960xi32, #tpu.memory_space<vmem>>[vector<16xi32>], vector<16xi32>,
      %shift_left3A_736 = arith.constant 16 : i32
      %shift_left3A_737 = vector.broadcast %shift_left3A_736 : i32 to vector<16xi32>
      %shift_left3A_738 = arith.shli %gather3A_735, %shift_left3A_737 : vector<16xi32>
      %bitcast3A_739 = vector.bitcast %shift_left3A_738 : vector<16xi32> to vector<16xf32>
      %bitcast3A_740 = vector.bitcast %gather3A_735 : vector<16xi32> to vector<16xf32>
      %add3A_741 = arith.addf %bitcast3A_739, %get3A_62 : vector<16xf32>
      %max3A_742 = arith.constant 0.000000e+00 : f32
      %max3A_743 = vector.broadcast %max3A_742 : f32 to vector<16xf32>
      %max3A_744 = arith.maximumf %add3A_741, %max3A_743 : vector<16xf32>
      %add3A_745 = arith.addf %add3A_665, %max3A_744 : vector<16xf32>
      %add3A_746 = arith.addf %bitcast3A_740, %get3A_78 : vector<16xf32>
      %max3A_747 = arith.constant 0.000000e+00 : f32
      %max3A_748 = vector.broadcast %max3A_747 : f32 to vector<16xf32>
      %max3A_749 = arith.maximumf %add3A_746, %max3A_748 : vector<16xf32>
      %add3A_750 = arith.addf %add3A_670, %max3A_749 : vector<16xf32>
      %add3A_751 = arith.constant 10240 : i32
      %add3A_752 = vector.broadcast %add3A_751 : i32 to vector<16xi32>
      %add3A_753 = arith.addi %get3A_731, %add3A_752 : vector<16xi32>
      %gather3A_754 = tpu.vector_load_idx %arg6[%add3A_753] : memref<40960xi32, #tpu.memory_space<vmem>>[vector<16xi32>], vector<16xi32>,
      %shift_left3A_755 = arith.constant 16 : i32
      %shift_left3A_756 = vector.broadcast %shift_left3A_755 : i32 to vector<16xi32>
      %shift_left3A_757 = arith.shli %gather3A_754, %shift_left3A_756 : vector<16xi32>
      %bitcast3A_758 = vector.bitcast %shift_left3A_757 : vector<16xi32> to vector<16xf32>
      %bitcast3A_759 = vector.bitcast %gather3A_754 : vector<16xi32> to vector<16xf32>
      %add3A_760 = arith.addf %bitcast3A_758, %get3A_66 : vector<16xf32>
      %max3A_761 = arith.constant 0.000000e+00 : f32
      %max3A_762 = vector.broadcast %max3A_761 : f32 to vector<16xf32>
      %max3A_763 = arith.maximumf %add3A_760, %max3A_762 : vector<16xf32>
      %add3A_764 = arith.addf %add3A_684, %max3A_763 : vector<16xf32>
      %add3A_765 = arith.addf %bitcast3A_759, %get3A_82 : vector<16xf32>
      %max3A_766 = arith.constant 0.000000e+00 : f32
      %max3A_767 = vector.broadcast %max3A_766 : f32 to vector<16xf32>
      %max3A_768 = arith.maximumf %add3A_765, %max3A_767 : vector<16xf32>
      %add3A_769 = arith.addf %add3A_689, %max3A_768 : vector<16xf32>
      %add3A_770 = arith.constant 20480 : i32
      %add3A_771 = vector.broadcast %add3A_770 : i32 to vector<16xi32>
      %add3A_772 = arith.addi %get3A_731, %add3A_771 : vector<16xi32>
      %gather3A_773 = tpu.vector_load_idx %arg6[%add3A_772] : memref<40960xi32, #tpu.memory_space<vmem>>[vector<16xi32>], vector<16xi32>,
      %shift_left3A_774 = arith.constant 16 : i32
      %shift_left3A_775 = vector.broadcast %shift_left3A_774 : i32 to vector<16xi32>
      %shift_left3A_776 = arith.shli %gather3A_773, %shift_left3A_775 : vector<16xi32>
      %bitcast3A_777 = vector.bitcast %shift_left3A_776 : vector<16xi32> to vector<16xf32>
      %bitcast3A_778 = vector.bitcast %gather3A_773 : vector<16xi32> to vector<16xf32>
      %add3A_779 = arith.addf %bitcast3A_777, %get3A_70 : vector<16xf32>
      %max3A_780 = arith.constant 0.000000e+00 : f32
      %max3A_781 = vector.broadcast %max3A_780 : f32 to vector<16xf32>
      %max3A_782 = arith.maximumf %add3A_779, %max3A_781 : vector<16xf32>
      %add3A_783 = arith.addf %add3A_703, %max3A_782 : vector<16xf32>
      %add3A_784 = arith.addf %bitcast3A_778, %get3A_86 : vector<16xf32>
      %max3A_785 = arith.constant 0.000000e+00 : f32
      %max3A_786 = vector.broadcast %max3A_785 : f32 to vector<16xf32>
      %max3A_787 = arith.maximumf %add3A_784, %max3A_786 : vector<16xf32>
      %add3A_788 = arith.addf %add3A_708, %max3A_787 : vector<16xf32>
      %add3A_789 = arith.constant 30720 : i32
      %add3A_790 = vector.broadcast %add3A_789 : i32 to vector<16xi32>
      %add3A_791 = arith.addi %get3A_731, %add3A_790 : vector<16xi32>
      %gather3A_792 = tpu.vector_load_idx %arg6[%add3A_791] : memref<40960xi32, #tpu.memory_space<vmem>>[vector<16xi32>], vector<16xi32>,
      %shift_left3A_793 = arith.constant 16 : i32
      %shift_left3A_794 = vector.broadcast %shift_left3A_793 : i32 to vector<16xi32>
      %shift_left3A_795 = arith.shli %gather3A_792, %shift_left3A_794 : vector<16xi32>
      %bitcast3A_796 = vector.bitcast %shift_left3A_795 : vector<16xi32> to vector<16xf32>
      %bitcast3A_797 = vector.bitcast %gather3A_792 : vector<16xi32> to vector<16xf32>
      %add3A_798 = arith.addf %bitcast3A_796, %get3A_74 : vector<16xf32>
      %max3A_799 = arith.constant 0.000000e+00 : f32
      %max3A_800 = vector.broadcast %max3A_799 : f32 to vector<16xf32>
      %max3A_801 = arith.maximumf %add3A_798, %max3A_800 : vector<16xf32>
      %add3A_802 = arith.addf %add3A_722, %max3A_801 : vector<16xf32>
      %add3A_803 = arith.addf %bitcast3A_797, %get3A_90 : vector<16xf32>
      %max3A_804 = arith.constant 0.000000e+00 : f32
      %max3A_805 = vector.broadcast %max3A_804 : f32 to vector<16xf32>
      %max3A_806 = arith.maximumf %add3A_803, %max3A_805 : vector<16xf32>
      %add3A_807 = arith.addf %add3A_727, %max3A_806 : vector<16xf32>
      %get3A_808 = arith.constant 9 : i32
      %get3A_809 = arith.index_cast %get3A_808 : i32 to index
      %get3A_810 = arith.index_cast %multiple_of3A : i32 to index
      %get3A_811 = tpu.vector_load %arg8[%get3A_809, %get3A_810] {strides = array<i32>} : memref<16x1280xi32, #tpu.memory_space<vmem>>, vector<16xi32>,
      %add3A_812 = arith.constant 0 : i32
      %add3A_813 = vector.broadcast %add3A_812 : i32 to vector<16xi32>
      %add3A_814 = arith.addi %get3A_811, %add3A_813 : vector<16xi32>
      %gather3A_815 = tpu.vector_load_idx %arg6[%add3A_814] : memref<40960xi32, #tpu.memory_space<vmem>>[vector<16xi32>], vector<16xi32>,
      %shift_left3A_816 = arith.constant 16 : i32
      %shift_left3A_817 = vector.broadcast %shift_left3A_816 : i32 to vector<16xi32>
      %shift_left3A_818 = arith.shli %gather3A_815, %shift_left3A_817 : vector<16xi32>
      %bitcast3A_819 = vector.bitcast %shift_left3A_818 : vector<16xi32> to vector<16xf32>
      %bitcast3A_820 = vector.bitcast %gather3A_815 : vector<16xi32> to vector<16xf32>
      %add3A_821 = arith.addf %bitcast3A_819, %get3A_62 : vector<16xf32>
      %max3A_822 = arith.constant 0.000000e+00 : f32
      %max3A_823 = vector.broadcast %max3A_822 : f32 to vector<16xf32>
      %max3A_824 = arith.maximumf %add3A_821, %max3A_823 : vector<16xf32>
      %add3A_825 = arith.addf %add3A_745, %max3A_824 : vector<16xf32>
      %add3A_826 = arith.addf %bitcast3A_820, %get3A_78 : vector<16xf32>
      %max3A_827 = arith.constant 0.000000e+00 : f32
      %max3A_828 = vector.broadcast %max3A_827 : f32 to vector<16xf32>
      %max3A_829 = arith.maximumf %add3A_826, %max3A_828 : vector<16xf32>
      %add3A_830 = arith.addf %add3A_750, %max3A_829 : vector<16xf32>
      %add3A_831 = arith.constant 10240 : i32
      %add3A_832 = vector.broadcast %add3A_831 : i32 to vector<16xi32>
      %add3A_833 = arith.addi %get3A_811, %add3A_832 : vector<16xi32>
      %gather3A_834 = tpu.vector_load_idx %arg6[%add3A_833] : memref<40960xi32, #tpu.memory_space<vmem>>[vector<16xi32>], vector<16xi32>,
      %shift_left3A_835 = arith.constant 16 : i32
      %shift_left3A_836 = vector.broadcast %shift_left3A_835 : i32 to vector<16xi32>
      %shift_left3A_837 = arith.shli %gather3A_834, %shift_left3A_836 : vector<16xi32>
      %bitcast3A_838 = vector.bitcast %shift_left3A_837 : vector<16xi32> to vector<16xf32>
      %bitcast3A_839 = vector.bitcast %gather3A_834 : vector<16xi32> to vector<16xf32>
      %add3A_840 = arith.addf %bitcast3A_838, %get3A_66 : vector<16xf32>
      %max3A_841 = arith.constant 0.000000e+00 : f32
      %max3A_842 = vector.broadcast %max3A_841 : f32 to vector<16xf32>
      %max3A_843 = arith.maximumf %add3A_840, %max3A_842 : vector<16xf32>
      %add3A_844 = arith.addf %add3A_764, %max3A_843 : vector<16xf32>
      %add3A_845 = arith.addf %bitcast3A_839, %get3A_82 : vector<16xf32>
      %max3A_846 = arith.constant 0.000000e+00 : f32
      %max3A_847 = vector.broadcast %max3A_846 : f32 to vector<16xf32>
      %max3A_848 = arith.maximumf %add3A_845, %max3A_847 : vector<16xf32>
      %add3A_849 = arith.addf %add3A_769, %max3A_848 : vector<16xf32>
      %add3A_850 = arith.constant 20480 : i32
      %add3A_851 = vector.broadcast %add3A_850 : i32 to vector<16xi32>
      %add3A_852 = arith.addi %get3A_811, %add3A_851 : vector<16xi32>
      %gather3A_853 = tpu.vector_load_idx %arg6[%add3A_852] : memref<40960xi32, #tpu.memory_space<vmem>>[vector<16xi32>], vector<16xi32>,
      %shift_left3A_854 = arith.constant 16 : i32
      %shift_left3A_855 = vector.broadcast %shift_left3A_854 : i32 to vector<16xi32>
      %shift_left3A_856 = arith.shli %gather3A_853, %shift_left3A_855 : vector<16xi32>
      %bitcast3A_857 = vector.bitcast %shift_left3A_856 : vector<16xi32> to vector<16xf32>
      %bitcast3A_858 = vector.bitcast %gather3A_853 : vector<16xi32> to vector<16xf32>
      %add3A_859 = arith.addf %bitcast3A_857, %get3A_70 : vector<16xf32>
      %max3A_860 = arith.constant 0.000000e+00 : f32
      %max3A_861 = vector.broadcast %max3A_860 : f32 to vector<16xf32>
      %max3A_862 = arith.maximumf %add3A_859, %max3A_861 : vector<16xf32>
      %add3A_863 = arith.addf %add3A_783, %max3A_862 : vector<16xf32>
      %add3A_864 = arith.addf %bitcast3A_858, %get3A_86 : vector<16xf32>
      %max3A_865 = arith.constant 0.000000e+00 : f32
      %max3A_866 = vector.broadcast %max3A_865 : f32 to vector<16xf32>
      %max3A_867 = arith.maximumf %add3A_864, %max3A_866 : vector<16xf32>
      %add3A_868 = arith.addf %add3A_788, %max3A_867 : vector<16xf32>
      %add3A_869 = arith.constant 30720 : i32
      %add3A_870 = vector.broadcast %add3A_869 : i32 to vector<16xi32>
      %add3A_871 = arith.addi %get3A_811, %add3A_870 : vector<16xi32>
      %gather3A_872 = tpu.vector_load_idx %arg6[%add3A_871] : memref<40960xi32, #tpu.memory_space<vmem>>[vector<16xi32>], vector<16xi32>,
      %shift_left3A_873 = arith.constant 16 : i32
      %shift_left3A_874 = vector.broadcast %shift_left3A_873 : i32 to vector<16xi32>
      %shift_left3A_875 = arith.shli %gather3A_872, %shift_left3A_874 : vector<16xi32>
      %bitcast3A_876 = vector.bitcast %shift_left3A_875 : vector<16xi32> to vector<16xf32>
      %bitcast3A_877 = vector.bitcast %gather3A_872 : vector<16xi32> to vector<16xf32>
      %add3A_878 = arith.addf %bitcast3A_876, %get3A_74 : vector<16xf32>
      %max3A_879 = arith.constant 0.000000e+00 : f32
      %max3A_880 = vector.broadcast %max3A_879 : f32 to vector<16xf32>
      %max3A_881 = arith.maximumf %add3A_878, %max3A_880 : vector<16xf32>
      %add3A_882 = arith.addf %add3A_802, %max3A_881 : vector<16xf32>
      %add3A_883 = arith.addf %bitcast3A_877, %get3A_90 : vector<16xf32>
      %max3A_884 = arith.constant 0.000000e+00 : f32
      %max3A_885 = vector.broadcast %max3A_884 : f32 to vector<16xf32>
      %max3A_886 = arith.maximumf %add3A_883, %max3A_885 : vector<16xf32>
      %add3A_887 = arith.addf %add3A_807, %max3A_886 : vector<16xf32>
      %get3A_888 = arith.constant 10 : i32
      %get3A_889 = arith.index_cast %get3A_888 : i32 to index
      %get3A_890 = arith.index_cast %multiple_of3A : i32 to index
      %get3A_891 = tpu.vector_load %arg8[%get3A_889, %get3A_890] {strides = array<i32>} : memref<16x1280xi32, #tpu.memory_space<vmem>>, vector<16xi32>,
      %add3A_892 = arith.constant 0 : i32
      %add3A_893 = vector.broadcast %add3A_892 : i32 to vector<16xi32>
      %add3A_894 = arith.addi %get3A_891, %add3A_893 : vector<16xi32>
      %gather3A_895 = tpu.vector_load_idx %arg6[%add3A_894] : memref<40960xi32, #tpu.memory_space<vmem>>[vector<16xi32>], vector<16xi32>,
      %shift_left3A_896 = arith.constant 16 : i32
      %shift_left3A_897 = vector.broadcast %shift_left3A_896 : i32 to vector<16xi32>
      %shift_left3A_898 = arith.shli %gather3A_895, %shift_left3A_897 : vector<16xi32>
      %bitcast3A_899 = vector.bitcast %shift_left3A_898 : vector<16xi32> to vector<16xf32>
      %bitcast3A_900 = vector.bitcast %gather3A_895 : vector<16xi32> to vector<16xf32>
      %add3A_901 = arith.addf %bitcast3A_899, %get3A_62 : vector<16xf32>
      %max3A_902 = arith.constant 0.000000e+00 : f32
      %max3A_903 = vector.broadcast %max3A_902 : f32 to vector<16xf32>
      %max3A_904 = arith.maximumf %add3A_901, %max3A_903 : vector<16xf32>
      %add3A_905 = arith.addf %add3A_825, %max3A_904 : vector<16xf32>
      %add3A_906 = arith.addf %bitcast3A_900, %get3A_78 : vector<16xf32>
      %max3A_907 = arith.constant 0.000000e+00 : f32
      %max3A_908 = vector.broadcast %max3A_907 : f32 to vector<16xf32>
      %max3A_909 = arith.maximumf %add3A_906, %max3A_908 : vector<16xf32>
      %add3A_910 = arith.addf %add3A_830, %max3A_909 : vector<16xf32>
      %add3A_911 = arith.constant 10240 : i32
      %add3A_912 = vector.broadcast %add3A_911 : i32 to vector<16xi32>
      %add3A_913 = arith.addi %get3A_891, %add3A_912 : vector<16xi32>
      %gather3A_914 = tpu.vector_load_idx %arg6[%add3A_913] : memref<40960xi32, #tpu.memory_space<vmem>>[vector<16xi32>], vector<16xi32>,
      %shift_left3A_915 = arith.constant 16 : i32
      %shift_left3A_916 = vector.broadcast %shift_left3A_915 : i32 to vector<16xi32>
      %shift_left3A_917 = arith.shli %gather3A_914, %shift_left3A_916 : vector<16xi32>
      %bitcast3A_918 = vector.bitcast %shift_left3A_917 : vector<16xi32> to vector<16xf32>
      %bitcast3A_919 = vector.bitcast %gather3A_914 : vector<16xi32> to vector<16xf32>
      %add3A_920 = arith.addf %bitcast3A_918, %get3A_66 : vector<16xf32>
      %max3A_921 = arith.constant 0.000000e+00 : f32
      %max3A_922 = vector.broadcast %max3A_921 : f32 to vector<16xf32>
      %max3A_923 = arith.maximumf %add3A_920, %max3A_922 : vector<16xf32>
      %add3A_924 = arith.addf %add3A_844, %max3A_923 : vector<16xf32>
      %add3A_925 = arith.addf %bitcast3A_919, %get3A_82 : vector<16xf32>
      %max3A_926 = arith.constant 0.000000e+00 : f32
      %max3A_927 = vector.broadcast %max3A_926 : f32 to vector<16xf32>
      %max3A_928 = arith.maximumf %add3A_925, %max3A_927 : vector<16xf32>
      %add3A_929 = arith.addf %add3A_849, %max3A_928 : vector<16xf32>
      %add3A_930 = arith.constant 20480 : i32
      %add3A_931 = vector.broadcast %add3A_930 : i32 to vector<16xi32>
      %add3A_932 = arith.addi %get3A_891, %add3A_931 : vector<16xi32>
      %gather3A_933 = tpu.vector_load_idx %arg6[%add3A_932] : memref<40960xi32, #tpu.memory_space<vmem>>[vector<16xi32>], vector<16xi32>,
      %shift_left3A_934 = arith.constant 16 : i32
      %shift_left3A_935 = vector.broadcast %shift_left3A_934 : i32 to vector<16xi32>
      %shift_left3A_936 = arith.shli %gather3A_933, %shift_left3A_935 : vector<16xi32>
      %bitcast3A_937 = vector.bitcast %shift_left3A_936 : vector<16xi32> to vector<16xf32>
      %bitcast3A_938 = vector.bitcast %gather3A_933 : vector<16xi32> to vector<16xf32>
      %add3A_939 = arith.addf %bitcast3A_937, %get3A_70 : vector<16xf32>
      %max3A_940 = arith.constant 0.000000e+00 : f32
      %max3A_941 = vector.broadcast %max3A_940 : f32 to vector<16xf32>
      %max3A_942 = arith.maximumf %add3A_939, %max3A_941 : vector<16xf32>
      %add3A_943 = arith.addf %add3A_863, %max3A_942 : vector<16xf32>
      %add3A_944 = arith.addf %bitcast3A_938, %get3A_86 : vector<16xf32>
      %max3A_945 = arith.constant 0.000000e+00 : f32
      %max3A_946 = vector.broadcast %max3A_945 : f32 to vector<16xf32>
      %max3A_947 = arith.maximumf %add3A_944, %max3A_946 : vector<16xf32>
      %add3A_948 = arith.addf %add3A_868, %max3A_947 : vector<16xf32>
      %add3A_949 = arith.constant 30720 : i32
      %add3A_950 = vector.broadcast %add3A_949 : i32 to vector<16xi32>
      %add3A_951 = arith.addi %get3A_891, %add3A_950 : vector<16xi32>
      %gather3A_952 = tpu.vector_load_idx %arg6[%add3A_951] : memref<40960xi32, #tpu.memory_space<vmem>>[vector<16xi32>], vector<16xi32>,
      %shift_left3A_953 = arith.constant 16 : i32
      %shift_left3A_954 = vector.broadcast %shift_left3A_953 : i32 to vector<16xi32>
      %shift_left3A_955 = arith.shli %gather3A_952, %shift_left3A_954 : vector<16xi32>
      %bitcast3A_956 = vector.bitcast %shift_left3A_955 : vector<16xi32> to vector<16xf32>
      %bitcast3A_957 = vector.bitcast %gather3A_952 : vector<16xi32> to vector<16xf32>
      %add3A_958 = arith.addf %bitcast3A_956, %get3A_74 : vector<16xf32>
      %max3A_959 = arith.constant 0.000000e+00 : f32
      %max3A_960 = vector.broadcast %max3A_959 : f32 to vector<16xf32>
      %max3A_961 = arith.maximumf %add3A_958, %max3A_960 : vector<16xf32>
      %add3A_962 = arith.addf %add3A_882, %max3A_961 : vector<16xf32>
      %add3A_963 = arith.addf %bitcast3A_957, %get3A_90 : vector<16xf32>
      %max3A_964 = arith.constant 0.000000e+00 : f32
      %max3A_965 = vector.broadcast %max3A_964 : f32 to vector<16xf32>
      %max3A_966 = arith.maximumf %add3A_963, %max3A_965 : vector<16xf32>
      %add3A_967 = arith.addf %add3A_887, %max3A_966 : vector<16xf32>
      %get3A_968 = arith.constant 11 : i32
      %get3A_969 = arith.index_cast %get3A_968 : i32 to index
      %get3A_970 = arith.index_cast %multiple_of3A : i32 to index
      %get3A_971 = tpu.vector_load %arg8[%get3A_969, %get3A_970] {strides = array<i32>} : memref<16x1280xi32, #tpu.memory_space<vmem>>, vector<16xi32>,
      %add3A_972 = arith.constant 0 : i32
      %add3A_973 = vector.broadcast %add3A_972 : i32 to vector<16xi32>
      %add3A_974 = arith.addi %get3A_971, %add3A_973 : vector<16xi32>
      %gather3A_975 = tpu.vector_load_idx %arg6[%add3A_974] : memref<40960xi32, #tpu.memory_space<vmem>>[vector<16xi32>], vector<16xi32>,
      %shift_left3A_976 = arith.constant 16 : i32
      %shift_left3A_977 = vector.broadcast %shift_left3A_976 : i32 to vector<16xi32>
      %shift_left3A_978 = arith.shli %gather3A_975, %shift_left3A_977 : vector<16xi32>
      %bitcast3A_979 = vector.bitcast %shift_left3A_978 : vector<16xi32> to vector<16xf32>
      %bitcast3A_980 = vector.bitcast %gather3A_975 : vector<16xi32> to vector<16xf32>
      %add3A_981 = arith.addf %bitcast3A_979, %get3A_62 : vector<16xf32>
      %max3A_982 = arith.constant 0.000000e+00 : f32
      %max3A_983 = vector.broadcast %max3A_982 : f32 to vector<16xf32>
      %max3A_984 = arith.maximumf %add3A_981, %max3A_983 : vector<16xf32>
      %add3A_985 = arith.addf %add3A_905, %max3A_984 : vector<16xf32>
      %add3A_986 = arith.addf %bitcast3A_980, %get3A_78 : vector<16xf32>
      %max3A_987 = arith.constant 0.000000e+00 : f32
      %max3A_988 = vector.broadcast %max3A_987 : f32 to vector<16xf32>
      %max3A_989 = arith.maximumf %add3A_986, %max3A_988 : vector<16xf32>
      %add3A_990 = arith.addf %add3A_910, %max3A_989 : vector<16xf32>
      %add3A_991 = arith.constant 10240 : i32
      %add3A_992 = vector.broadcast %add3A_991 : i32 to vector<16xi32>
      %add3A_993 = arith.addi %get3A_971, %add3A_992 : vector<16xi32>
      %gather3A_994 = tpu.vector_load_idx %arg6[%add3A_993] : memref<40960xi32, #tpu.memory_space<vmem>>[vector<16xi32>], vector<16xi32>,
      %shift_left3A_995 = arith.constant 16 : i32
      %shift_left3A_996 = vector.broadcast %shift_left3A_995 : i32 to vector<16xi32>
      %shift_left3A_997 = arith.shli %gather3A_994, %shift_left3A_996 : vector<16xi32>
      %bitcast3A_998 = vector.bitcast %shift_left3A_997 : vector<16xi32> to vector<16xf32>
      %bitcast3A_999 = vector.bitcast %gather3A_994 : vector<16xi32> to vector<16xf32>
      %add3A_1000 = arith.addf %bitcast3A_998, %get3A_66 : vector<16xf32>
      %max3A_1001 = arith.constant 0.000000e+00 : f32
      %max3A_1002 = vector.broadcast %max3A_1001 : f32 to vector<16xf32>
      %max3A_1003 = arith.maximumf %add3A_1000, %max3A_1002 : vector<16xf32>
      %add3A_1004 = arith.addf %add3A_924, %max3A_1003 : vector<16xf32>
      %add3A_1005 = arith.addf %bitcast3A_999, %get3A_82 : vector<16xf32>
      %max3A_1006 = arith.constant 0.000000e+00 : f32
      %max3A_1007 = vector.broadcast %max3A_1006 : f32 to vector<16xf32>
      %max3A_1008 = arith.maximumf %add3A_1005, %max3A_1007 : vector<16xf32>
      %add3A_1009 = arith.addf %add3A_929, %max3A_1008 : vector<16xf32>
      %add3A_1010 = arith.constant 20480 : i32
      %add3A_1011 = vector.broadcast %add3A_1010 : i32 to vector<16xi32>
      %add3A_1012 = arith.addi %get3A_971, %add3A_1011 : vector<16xi32>
      %gather3A_1013 = tpu.vector_load_idx %arg6[%add3A_1012] : memref<40960xi32, #tpu.memory_space<vmem>>[vector<16xi32>], vector<16xi32>,
      %shift_left3A_1014 = arith.constant 16 : i32
      %shift_left3A_1015 = vector.broadcast %shift_left3A_1014 : i32 to vector<16xi32>
      %shift_left3A_1016 = arith.shli %gather3A_1013, %shift_left3A_1015 : vector<16xi32>
      %bitcast3A_1017 = vector.bitcast %shift_left3A_1016 : vector<16xi32> to vector<16xf32>
      %bitcast3A_1018 = vector.bitcast %gather3A_1013 : vector<16xi32> to vector<16xf32>
      %add3A_1019 = arith.addf %bitcast3A_1017, %get3A_70 : vector<16xf32>
      %max3A_1020 = arith.constant 0.000000e+00 : f32
      %max3A_1021 = vector.broadcast %max3A_1020 : f32 to vector<16xf32>
      %max3A_1022 = arith.maximumf %add3A_1019, %max3A_1021 : vector<16xf32>
      %add3A_1023 = arith.addf %add3A_943, %max3A_1022 : vector<16xf32>
      %add3A_1024 = arith.addf %bitcast3A_1018, %get3A_86 : vector<16xf32>
      %max3A_1025 = arith.constant 0.000000e+00 : f32
      %max3A_1026 = vector.broadcast %max3A_1025 : f32 to vector<16xf32>
      %max3A_1027 = arith.maximumf %add3A_1024, %max3A_1026 : vector<16xf32>
      %add3A_1028 = arith.addf %add3A_948, %max3A_1027 : vector<16xf32>
      %add3A_1029 = arith.constant 30720 : i32
      %add3A_1030 = vector.broadcast %add3A_1029 : i32 to vector<16xi32>
      %add3A_1031 = arith.addi %get3A_971, %add3A_1030 : vector<16xi32>
      %gather3A_1032 = tpu.vector_load_idx %arg6[%add3A_1031] : memref<40960xi32, #tpu.memory_space<vmem>>[vector<16xi32>], vector<16xi32>,
      %shift_left3A_1033 = arith.constant 16 : i32
      %shift_left3A_1034 = vector.broadcast %shift_left3A_1033 : i32 to vector<16xi32>
      %shift_left3A_1035 = arith.shli %gather3A_1032, %shift_left3A_1034 : vector<16xi32>
      %bitcast3A_1036 = vector.bitcast %shift_left3A_1035 : vector<16xi32> to vector<16xf32>
      %bitcast3A_1037 = vector.bitcast %gather3A_1032 : vector<16xi32> to vector<16xf32>
      %add3A_1038 = arith.addf %bitcast3A_1036, %get3A_74 : vector<16xf32>
      %max3A_1039 = arith.constant 0.000000e+00 : f32
      %max3A_1040 = vector.broadcast %max3A_1039 : f32 to vector<16xf32>
      %max3A_1041 = arith.maximumf %add3A_1038, %max3A_1040 : vector<16xf32>
      %add3A_1042 = arith.addf %add3A_962, %max3A_1041 : vector<16xf32>
      %add3A_1043 = arith.addf %bitcast3A_1037, %get3A_90 : vector<16xf32>
      %max3A_1044 = arith.constant 0.000000e+00 : f32
      %max3A_1045 = vector.broadcast %max3A_1044 : f32 to vector<16xf32>
      %max3A_1046 = arith.maximumf %add3A_1043, %max3A_1045 : vector<16xf32>
      %add3A_1047 = arith.addf %add3A_967, %max3A_1046 : vector<16xf32>
      %get3A_1048 = arith.constant 12 : i32
      %get3A_1049 = arith.index_cast %get3A_1048 : i32 to index
      %get3A_1050 = arith.index_cast %multiple_of3A : i32 to index
      %get3A_1051 = tpu.vector_load %arg8[%get3A_1049, %get3A_1050] {strides = array<i32>} : memref<16x1280xi32, #tpu.memory_space<vmem>>, vector<16xi32>,
      %add3A_1052 = arith.constant 0 : i32
      %add3A_1053 = vector.broadcast %add3A_1052 : i32 to vector<16xi32>
      %add3A_1054 = arith.addi %get3A_1051, %add3A_1053 : vector<16xi32>
      %gather3A_1055 = tpu.vector_load_idx %arg6[%add3A_1054] : memref<40960xi32, #tpu.memory_space<vmem>>[vector<16xi32>], vector<16xi32>,
      %shift_left3A_1056 = arith.constant 16 : i32
      %shift_left3A_1057 = vector.broadcast %shift_left3A_1056 : i32 to vector<16xi32>
      %shift_left3A_1058 = arith.shli %gather3A_1055, %shift_left3A_1057 : vector<16xi32>
      %bitcast3A_1059 = vector.bitcast %shift_left3A_1058 : vector<16xi32> to vector<16xf32>
      %bitcast3A_1060 = vector.bitcast %gather3A_1055 : vector<16xi32> to vector<16xf32>
      %add3A_1061 = arith.addf %bitcast3A_1059, %get3A_62 : vector<16xf32>
      %max3A_1062 = arith.constant 0.000000e+00 : f32
      %max3A_1063 = vector.broadcast %max3A_1062 : f32 to vector<16xf32>
      %max3A_1064 = arith.maximumf %add3A_1061, %max3A_1063 : vector<16xf32>
      %add3A_1065 = arith.addf %add3A_985, %max3A_1064 : vector<16xf32>
      %add3A_1066 = arith.addf %bitcast3A_1060, %get3A_78 : vector<16xf32>
      %max3A_1067 = arith.constant 0.000000e+00 : f32
      %max3A_1068 = vector.broadcast %max3A_1067 : f32 to vector<16xf32>
      %max3A_1069 = arith.maximumf %add3A_1066, %max3A_1068 : vector<16xf32>
      %add3A_1070 = arith.addf %add3A_990, %max3A_1069 : vector<16xf32>
      %add3A_1071 = arith.constant 10240 : i32
      %add3A_1072 = vector.broadcast %add3A_1071 : i32 to vector<16xi32>
      %add3A_1073 = arith.addi %get3A_1051, %add3A_1072 : vector<16xi32>
      %gather3A_1074 = tpu.vector_load_idx %arg6[%add3A_1073] : memref<40960xi32, #tpu.memory_space<vmem>>[vector<16xi32>], vector<16xi32>,
      %shift_left3A_1075 = arith.constant 16 : i32
      %shift_left3A_1076 = vector.broadcast %shift_left3A_1075 : i32 to vector<16xi32>
      %shift_left3A_1077 = arith.shli %gather3A_1074, %shift_left3A_1076 : vector<16xi32>
      %bitcast3A_1078 = vector.bitcast %shift_left3A_1077 : vector<16xi32> to vector<16xf32>
      %bitcast3A_1079 = vector.bitcast %gather3A_1074 : vector<16xi32> to vector<16xf32>
      %add3A_1080 = arith.addf %bitcast3A_1078, %get3A_66 : vector<16xf32>
      %max3A_1081 = arith.constant 0.000000e+00 : f32
      %max3A_1082 = vector.broadcast %max3A_1081 : f32 to vector<16xf32>
      %max3A_1083 = arith.maximumf %add3A_1080, %max3A_1082 : vector<16xf32>
      %add3A_1084 = arith.addf %add3A_1004, %max3A_1083 : vector<16xf32>
      %add3A_1085 = arith.addf %bitcast3A_1079, %get3A_82 : vector<16xf32>
      %max3A_1086 = arith.constant 0.000000e+00 : f32
      %max3A_1087 = vector.broadcast %max3A_1086 : f32 to vector<16xf32>
      %max3A_1088 = arith.maximumf %add3A_1085, %max3A_1087 : vector<16xf32>
      %add3A_1089 = arith.addf %add3A_1009, %max3A_1088 : vector<16xf32>
      %add3A_1090 = arith.constant 20480 : i32
      %add3A_1091 = vector.broadcast %add3A_1090 : i32 to vector<16xi32>
      %add3A_1092 = arith.addi %get3A_1051, %add3A_1091 : vector<16xi32>
      %gather3A_1093 = tpu.vector_load_idx %arg6[%add3A_1092] : memref<40960xi32, #tpu.memory_space<vmem>>[vector<16xi32>], vector<16xi32>,
      %shift_left3A_1094 = arith.constant 16 : i32
      %shift_left3A_1095 = vector.broadcast %shift_left3A_1094 : i32 to vector<16xi32>
      %shift_left3A_1096 = arith.shli %gather3A_1093, %shift_left3A_1095 : vector<16xi32>
      %bitcast3A_1097 = vector.bitcast %shift_left3A_1096 : vector<16xi32> to vector<16xf32>
      %bitcast3A_1098 = vector.bitcast %gather3A_1093 : vector<16xi32> to vector<16xf32>
      %add3A_1099 = arith.addf %bitcast3A_1097, %get3A_70 : vector<16xf32>
      %max3A_1100 = arith.constant 0.000000e+00 : f32
      %max3A_1101 = vector.broadcast %max3A_1100 : f32 to vector<16xf32>
      %max3A_1102 = arith.maximumf %add3A_1099, %max3A_1101 : vector<16xf32>
      %add3A_1103 = arith.addf %add3A_1023, %max3A_1102 : vector<16xf32>
      %add3A_1104 = arith.addf %bitcast3A_1098, %get3A_86 : vector<16xf32>
      %max3A_1105 = arith.constant 0.000000e+00 : f32
      %max3A_1106 = vector.broadcast %max3A_1105 : f32 to vector<16xf32>
      %max3A_1107 = arith.maximumf %add3A_1104, %max3A_1106 : vector<16xf32>
      %add3A_1108 = arith.addf %add3A_1028, %max3A_1107 : vector<16xf32>
      %add3A_1109 = arith.constant 30720 : i32
      %add3A_1110 = vector.broadcast %add3A_1109 : i32 to vector<16xi32>
      %add3A_1111 = arith.addi %get3A_1051, %add3A_1110 : vector<16xi32>
      %gather3A_1112 = tpu.vector_load_idx %arg6[%add3A_1111] : memref<40960xi32, #tpu.memory_space<vmem>>[vector<16xi32>], vector<16xi32>,
      %shift_left3A_1113 = arith.constant 16 : i32
      %shift_left3A_1114 = vector.broadcast %shift_left3A_1113 : i32 to vector<16xi32>
      %shift_left3A_1115 = arith.shli %gather3A_1112, %shift_left3A_1114 : vector<16xi32>
      %bitcast3A_1116 = vector.bitcast %shift_left3A_1115 : vector<16xi32> to vector<16xf32>
      %bitcast3A_1117 = vector.bitcast %gather3A_1112 : vector<16xi32> to vector<16xf32>
      %add3A_1118 = arith.addf %bitcast3A_1116, %get3A_74 : vector<16xf32>
      %max3A_1119 = arith.constant 0.000000e+00 : f32
      %max3A_1120 = vector.broadcast %max3A_1119 : f32 to vector<16xf32>
      %max3A_1121 = arith.maximumf %add3A_1118, %max3A_1120 : vector<16xf32>
      %add3A_1122 = arith.addf %add3A_1042, %max3A_1121 : vector<16xf32>
      %add3A_1123 = arith.addf %bitcast3A_1117, %get3A_90 : vector<16xf32>
      %max3A_1124 = arith.constant 0.000000e+00 : f32
      %max3A_1125 = vector.broadcast %max3A_1124 : f32 to vector<16xf32>
      %max3A_1126 = arith.maximumf %add3A_1123, %max3A_1125 : vector<16xf32>
      %add3A_1127 = arith.addf %add3A_1047, %max3A_1126 : vector<16xf32>
      %get3A_1128 = arith.constant 13 : i32
      %get3A_1129 = arith.index_cast %get3A_1128 : i32 to index
      %get3A_1130 = arith.index_cast %multiple_of3A : i32 to index
      %get3A_1131 = tpu.vector_load %arg8[%get3A_1129, %get3A_1130] {strides = array<i32>} : memref<16x1280xi32, #tpu.memory_space<vmem>>, vector<16xi32>,
      %add3A_1132 = arith.constant 0 : i32
      %add3A_1133 = vector.broadcast %add3A_1132 : i32 to vector<16xi32>
      %add3A_1134 = arith.addi %get3A_1131, %add3A_1133 : vector<16xi32>
      %gather3A_1135 = tpu.vector_load_idx %arg6[%add3A_1134] : memref<40960xi32, #tpu.memory_space<vmem>>[vector<16xi32>], vector<16xi32>,
      %shift_left3A_1136 = arith.constant 16 : i32
      %shift_left3A_1137 = vector.broadcast %shift_left3A_1136 : i32 to vector<16xi32>
      %shift_left3A_1138 = arith.shli %gather3A_1135, %shift_left3A_1137 : vector<16xi32>
      %bitcast3A_1139 = vector.bitcast %shift_left3A_1138 : vector<16xi32> to vector<16xf32>
      %bitcast3A_1140 = vector.bitcast %gather3A_1135 : vector<16xi32> to vector<16xf32>
      %add3A_1141 = arith.addf %bitcast3A_1139, %get3A_62 : vector<16xf32>
      %max3A_1142 = arith.constant 0.000000e+00 : f32
      %max3A_1143 = vector.broadcast %max3A_1142 : f32 to vector<16xf32>
      %max3A_1144 = arith.maximumf %add3A_1141, %max3A_1143 : vector<16xf32>
      %add3A_1145 = arith.addf %add3A_1065, %max3A_1144 : vector<16xf32>
      %add3A_1146 = arith.addf %bitcast3A_1140, %get3A_78 : vector<16xf32>
      %max3A_1147 = arith.constant 0.000000e+00 : f32
      %max3A_1148 = vector.broadcast %max3A_1147 : f32 to vector<16xf32>
      %max3A_1149 = arith.maximumf %add3A_1146, %max3A_1148 : vector<16xf32>
      %add3A_1150 = arith.addf %add3A_1070, %max3A_1149 : vector<16xf32>
      %add3A_1151 = arith.constant 10240 : i32
      %add3A_1152 = vector.broadcast %add3A_1151 : i32 to vector<16xi32>
      %add3A_1153 = arith.addi %get3A_1131, %add3A_1152 : vector<16xi32>
      %gather3A_1154 = tpu.vector_load_idx %arg6[%add3A_1153] : memref<40960xi32, #tpu.memory_space<vmem>>[vector<16xi32>], vector<16xi32>,
      %shift_left3A_1155 = arith.constant 16 : i32
      %shift_left3A_1156 = vector.broadcast %shift_left3A_1155 : i32 to vector<16xi32>
      %shift_left3A_1157 = arith.shli %gather3A_1154, %shift_left3A_1156 : vector<16xi32>
      %bitcast3A_1158 = vector.bitcast %shift_left3A_1157 : vector<16xi32> to vector<16xf32>
      %bitcast3A_1159 = vector.bitcast %gather3A_1154 : vector<16xi32> to vector<16xf32>
      %add3A_1160 = arith.addf %bitcast3A_1158, %get3A_66 : vector<16xf32>
      %max3A_1161 = arith.constant 0.000000e+00 : f32
      %max3A_1162 = vector.broadcast %max3A_1161 : f32 to vector<16xf32>
      %max3A_1163 = arith.maximumf %add3A_1160, %max3A_1162 : vector<16xf32>
      %add3A_1164 = arith.addf %add3A_1084, %max3A_1163 : vector<16xf32>
      %add3A_1165 = arith.addf %bitcast3A_1159, %get3A_82 : vector<16xf32>
      %max3A_1166 = arith.constant 0.000000e+00 : f32
      %max3A_1167 = vector.broadcast %max3A_1166 : f32 to vector<16xf32>
      %max3A_1168 = arith.maximumf %add3A_1165, %max3A_1167 : vector<16xf32>
      %add3A_1169 = arith.addf %add3A_1089, %max3A_1168 : vector<16xf32>
      %add3A_1170 = arith.constant 20480 : i32
      %add3A_1171 = vector.broadcast %add3A_1170 : i32 to vector<16xi32>
      %add3A_1172 = arith.addi %get3A_1131, %add3A_1171 : vector<16xi32>
      %gather3A_1173 = tpu.vector_load_idx %arg6[%add3A_1172] : memref<40960xi32, #tpu.memory_space<vmem>>[vector<16xi32>], vector<16xi32>,
      %shift_left3A_1174 = arith.constant 16 : i32
      %shift_left3A_1175 = vector.broadcast %shift_left3A_1174 : i32 to vector<16xi32>
      %shift_left3A_1176 = arith.shli %gather3A_1173, %shift_left3A_1175 : vector<16xi32>
      %bitcast3A_1177 = vector.bitcast %shift_left3A_1176 : vector<16xi32> to vector<16xf32>
      %bitcast3A_1178 = vector.bitcast %gather3A_1173 : vector<16xi32> to vector<16xf32>
      %add3A_1179 = arith.addf %bitcast3A_1177, %get3A_70 : vector<16xf32>
      %max3A_1180 = arith.constant 0.000000e+00 : f32
      %max3A_1181 = vector.broadcast %max3A_1180 : f32 to vector<16xf32>
      %max3A_1182 = arith.maximumf %add3A_1179, %max3A_1181 : vector<16xf32>
      %add3A_1183 = arith.addf %add3A_1103, %max3A_1182 : vector<16xf32>
      %add3A_1184 = arith.addf %bitcast3A_1178, %get3A_86 : vector<16xf32>
      %max3A_1185 = arith.constant 0.000000e+00 : f32
      %max3A_1186 = vector.broadcast %max3A_1185 : f32 to vector<16xf32>
      %max3A_1187 = arith.maximumf %add3A_1184, %max3A_1186 : vector<16xf32>
      %add3A_1188 = arith.addf %add3A_1108, %max3A_1187 : vector<16xf32>
      %add3A_1189 = arith.constant 30720 : i32
      %add3A_1190 = vector.broadcast %add3A_1189 : i32 to vector<16xi32>
      %add3A_1191 = arith.addi %get3A_1131, %add3A_1190 : vector<16xi32>
      %gather3A_1192 = tpu.vector_load_idx %arg6[%add3A_1191] : memref<40960xi32, #tpu.memory_space<vmem>>[vector<16xi32>], vector<16xi32>,
      %shift_left3A_1193 = arith.constant 16 : i32
      %shift_left3A_1194 = vector.broadcast %shift_left3A_1193 : i32 to vector<16xi32>
      %shift_left3A_1195 = arith.shli %gather3A_1192, %shift_left3A_1194 : vector<16xi32>
      %bitcast3A_1196 = vector.bitcast %shift_left3A_1195 : vector<16xi32> to vector<16xf32>
      %bitcast3A_1197 = vector.bitcast %gather3A_1192 : vector<16xi32> to vector<16xf32>
      %add3A_1198 = arith.addf %bitcast3A_1196, %get3A_74 : vector<16xf32>
      %max3A_1199 = arith.constant 0.000000e+00 : f32
      %max3A_1200 = vector.broadcast %max3A_1199 : f32 to vector<16xf32>
      %max3A_1201 = arith.maximumf %add3A_1198, %max3A_1200 : vector<16xf32>
      %add3A_1202 = arith.addf %add3A_1122, %max3A_1201 : vector<16xf32>
      %add3A_1203 = arith.addf %bitcast3A_1197, %get3A_90 : vector<16xf32>
      %max3A_1204 = arith.constant 0.000000e+00 : f32
      %max3A_1205 = vector.broadcast %max3A_1204 : f32 to vector<16xf32>
      %max3A_1206 = arith.maximumf %add3A_1203, %max3A_1205 : vector<16xf32>
      %add3A_1207 = arith.addf %add3A_1127, %max3A_1206 : vector<16xf32>
      %get3A_1208 = arith.constant 14 : i32
      %get3A_1209 = arith.index_cast %get3A_1208 : i32 to index
      %get3A_1210 = arith.index_cast %multiple_of3A : i32 to index
      %get3A_1211 = tpu.vector_load %arg8[%get3A_1209, %get3A_1210] {strides = array<i32>} : memref<16x1280xi32, #tpu.memory_space<vmem>>, vector<16xi32>,
      %add3A_1212 = arith.constant 0 : i32
      %add3A_1213 = vector.broadcast %add3A_1212 : i32 to vector<16xi32>
      %add3A_1214 = arith.addi %get3A_1211, %add3A_1213 : vector<16xi32>
      %gather3A_1215 = tpu.vector_load_idx %arg6[%add3A_1214] : memref<40960xi32, #tpu.memory_space<vmem>>[vector<16xi32>], vector<16xi32>,
      %shift_left3A_1216 = arith.constant 16 : i32
      %shift_left3A_1217 = vector.broadcast %shift_left3A_1216 : i32 to vector<16xi32>
      %shift_left3A_1218 = arith.shli %gather3A_1215, %shift_left3A_1217 : vector<16xi32>
      %bitcast3A_1219 = vector.bitcast %shift_left3A_1218 : vector<16xi32> to vector<16xf32>
      %bitcast3A_1220 = vector.bitcast %gather3A_1215 : vector<16xi32> to vector<16xf32>
      %add3A_1221 = arith.addf %bitcast3A_1219, %get3A_62 : vector<16xf32>
      %max3A_1222 = arith.constant 0.000000e+00 : f32
      %max3A_1223 = vector.broadcast %max3A_1222 : f32 to vector<16xf32>
      %max3A_1224 = arith.maximumf %add3A_1221, %max3A_1223 : vector<16xf32>
      %add3A_1225 = arith.addf %add3A_1145, %max3A_1224 : vector<16xf32>
      %add3A_1226 = arith.addf %bitcast3A_1220, %get3A_78 : vector<16xf32>
      %max3A_1227 = arith.constant 0.000000e+00 : f32
      %max3A_1228 = vector.broadcast %max3A_1227 : f32 to vector<16xf32>
      %max3A_1229 = arith.maximumf %add3A_1226, %max3A_1228 : vector<16xf32>
      %add3A_1230 = arith.addf %add3A_1150, %max3A_1229 : vector<16xf32>
      %add3A_1231 = arith.constant 10240 : i32
      %add3A_1232 = vector.broadcast %add3A_1231 : i32 to vector<16xi32>
      %add3A_1233 = arith.addi %get3A_1211, %add3A_1232 : vector<16xi32>
      %gather3A_1234 = tpu.vector_load_idx %arg6[%add3A_1233] : memref<40960xi32, #tpu.memory_space<vmem>>[vector<16xi32>], vector<16xi32>,
      %shift_left3A_1235 = arith.constant 16 : i32
      %shift_left3A_1236 = vector.broadcast %shift_left3A_1235 : i32 to vector<16xi32>
      %shift_left3A_1237 = arith.shli %gather3A_1234, %shift_left3A_1236 : vector<16xi32>
      %bitcast3A_1238 = vector.bitcast %shift_left3A_1237 : vector<16xi32> to vector<16xf32>
      %bitcast3A_1239 = vector.bitcast %gather3A_1234 : vector<16xi32> to vector<16xf32>
      %add3A_1240 = arith.addf %bitcast3A_1238, %get3A_66 : vector<16xf32>
      %max3A_1241 = arith.constant 0.000000e+00 : f32
      %max3A_1242 = vector.broadcast %max3A_1241 : f32 to vector<16xf32>
      %max3A_1243 = arith.maximumf %add3A_1240, %max3A_1242 : vector<16xf32>
      %add3A_1244 = arith.addf %add3A_1164, %max3A_1243 : vector<16xf32>
      %add3A_1245 = arith.addf %bitcast3A_1239, %get3A_82 : vector<16xf32>
      %max3A_1246 = arith.constant 0.000000e+00 : f32
      %max3A_1247 = vector.broadcast %max3A_1246 : f32 to vector<16xf32>
      %max3A_1248 = arith.maximumf %add3A_1245, %max3A_1247 : vector<16xf32>
      %add3A_1249 = arith.addf %add3A_1169, %max3A_1248 : vector<16xf32>
      %add3A_1250 = arith.constant 20480 : i32
      %add3A_1251 = vector.broadcast %add3A_1250 : i32 to vector<16xi32>
      %add3A_1252 = arith.addi %get3A_1211, %add3A_1251 : vector<16xi32>
      %gather3A_1253 = tpu.vector_load_idx %arg6[%add3A_1252] : memref<40960xi32, #tpu.memory_space<vmem>>[vector<16xi32>], vector<16xi32>,
      %shift_left3A_1254 = arith.constant 16 : i32
      %shift_left3A_1255 = vector.broadcast %shift_left3A_1254 : i32 to vector<16xi32>
      %shift_left3A_1256 = arith.shli %gather3A_1253, %shift_left3A_1255 : vector<16xi32>
      %bitcast3A_1257 = vector.bitcast %shift_left3A_1256 : vector<16xi32> to vector<16xf32>
      %bitcast3A_1258 = vector.bitcast %gather3A_1253 : vector<16xi32> to vector<16xf32>
      %add3A_1259 = arith.addf %bitcast3A_1257, %get3A_70 : vector<16xf32>
      %max3A_1260 = arith.constant 0.000000e+00 : f32
      %max3A_1261 = vector.broadcast %max3A_1260 : f32 to vector<16xf32>
      %max3A_1262 = arith.maximumf %add3A_1259, %max3A_1261 : vector<16xf32>
      %add3A_1263 = arith.addf %add3A_1183, %max3A_1262 : vector<16xf32>
      %add3A_1264 = arith.addf %bitcast3A_1258, %get3A_86 : vector<16xf32>
      %max3A_1265 = arith.constant 0.000000e+00 : f32
      %max3A_1266 = vector.broadcast %max3A_1265 : f32 to vector<16xf32>
      %max3A_1267 = arith.maximumf %add3A_1264, %max3A_1266 : vector<16xf32>
      %add3A_1268 = arith.addf %add3A_1188, %max3A_1267 : vector<16xf32>
      %add3A_1269 = arith.constant 30720 : i32
      %add3A_1270 = vector.broadcast %add3A_1269 : i32 to vector<16xi32>
      %add3A_1271 = arith.addi %get3A_1211, %add3A_1270 : vector<16xi32>
      %gather3A_1272 = tpu.vector_load_idx %arg6[%add3A_1271] : memref<40960xi32, #tpu.memory_space<vmem>>[vector<16xi32>], vector<16xi32>,
      %shift_left3A_1273 = arith.constant 16 : i32
      %shift_left3A_1274 = vector.broadcast %shift_left3A_1273 : i32 to vector<16xi32>
      %shift_left3A_1275 = arith.shli %gather3A_1272, %shift_left3A_1274 : vector<16xi32>
      %bitcast3A_1276 = vector.bitcast %shift_left3A_1275 : vector<16xi32> to vector<16xf32>
      %bitcast3A_1277 = vector.bitcast %gather3A_1272 : vector<16xi32> to vector<16xf32>
      %add3A_1278 = arith.addf %bitcast3A_1276, %get3A_74 : vector<16xf32>
      %max3A_1279 = arith.constant 0.000000e+00 : f32
      %max3A_1280 = vector.broadcast %max3A_1279 : f32 to vector<16xf32>
      %max3A_1281 = arith.maximumf %add3A_1278, %max3A_1280 : vector<16xf32>
      %add3A_1282 = arith.addf %add3A_1202, %max3A_1281 : vector<16xf32>
      %add3A_1283 = arith.addf %bitcast3A_1277, %get3A_90 : vector<16xf32>
      %max3A_1284 = arith.constant 0.000000e+00 : f32
      %max3A_1285 = vector.broadcast %max3A_1284 : f32 to vector<16xf32>
      %max3A_1286 = arith.maximumf %add3A_1283, %max3A_1285 : vector<16xf32>
      %add3A_1287 = arith.addf %add3A_1207, %max3A_1286 : vector<16xf32>
      %get3A_1288 = arith.constant 15 : i32
      %get3A_1289 = arith.index_cast %get3A_1288 : i32 to index
      %get3A_1290 = arith.index_cast %multiple_of3A : i32 to index
      %get3A_1291 = tpu.vector_load %arg8[%get3A_1289, %get3A_1290] {strides = array<i32>} : memref<16x1280xi32, #tpu.memory_space<vmem>>, vector<16xi32>,
      %add3A_1292 = arith.constant 0 : i32
      %add3A_1293 = vector.broadcast %add3A_1292 : i32 to vector<16xi32>
      %add3A_1294 = arith.addi %get3A_1291, %add3A_1293 : vector<16xi32>
      %gather3A_1295 = tpu.vector_load_idx %arg6[%add3A_1294] : memref<40960xi32, #tpu.memory_space<vmem>>[vector<16xi32>], vector<16xi32>,
      %shift_left3A_1296 = arith.constant 16 : i32
      %shift_left3A_1297 = vector.broadcast %shift_left3A_1296 : i32 to vector<16xi32>
      %shift_left3A_1298 = arith.shli %gather3A_1295, %shift_left3A_1297 : vector<16xi32>
      %bitcast3A_1299 = vector.bitcast %shift_left3A_1298 : vector<16xi32> to vector<16xf32>
      %bitcast3A_1300 = vector.bitcast %gather3A_1295 : vector<16xi32> to vector<16xf32>
      %add3A_1301 = arith.addf %bitcast3A_1299, %get3A_62 : vector<16xf32>
      %max3A_1302 = arith.constant 0.000000e+00 : f32
      %max3A_1303 = vector.broadcast %max3A_1302 : f32 to vector<16xf32>
      %max3A_1304 = arith.maximumf %add3A_1301, %max3A_1303 : vector<16xf32>
      %add3A_1305 = arith.addf %add3A_1225, %max3A_1304 : vector<16xf32>
      %add3A_1306 = arith.addf %bitcast3A_1300, %get3A_78 : vector<16xf32>
      %max3A_1307 = arith.constant 0.000000e+00 : f32
      %max3A_1308 = vector.broadcast %max3A_1307 : f32 to vector<16xf32>
      %max3A_1309 = arith.maximumf %add3A_1306, %max3A_1308 : vector<16xf32>
      %add3A_1310 = arith.addf %add3A_1230, %max3A_1309 : vector<16xf32>
      %add3A_1311 = arith.constant 10240 : i32
      %add3A_1312 = vector.broadcast %add3A_1311 : i32 to vector<16xi32>
      %add3A_1313 = arith.addi %get3A_1291, %add3A_1312 : vector<16xi32>
      %gather3A_1314 = tpu.vector_load_idx %arg6[%add3A_1313] : memref<40960xi32, #tpu.memory_space<vmem>>[vector<16xi32>], vector<16xi32>,
      %shift_left3A_1315 = arith.constant 16 : i32
      %shift_left3A_1316 = vector.broadcast %shift_left3A_1315 : i32 to vector<16xi32>
      %shift_left3A_1317 = arith.shli %gather3A_1314, %shift_left3A_1316 : vector<16xi32>
      %bitcast3A_1318 = vector.bitcast %shift_left3A_1317 : vector<16xi32> to vector<16xf32>
      %bitcast3A_1319 = vector.bitcast %gather3A_1314 : vector<16xi32> to vector<16xf32>
      %add3A_1320 = arith.addf %bitcast3A_1318, %get3A_66 : vector<16xf32>
      %max3A_1321 = arith.constant 0.000000e+00 : f32
      %max3A_1322 = vector.broadcast %max3A_1321 : f32 to vector<16xf32>
      %max3A_1323 = arith.maximumf %add3A_1320, %max3A_1322 : vector<16xf32>
      %add3A_1324 = arith.addf %add3A_1244, %max3A_1323 : vector<16xf32>
      %add3A_1325 = arith.addf %bitcast3A_1319, %get3A_82 : vector<16xf32>
      %max3A_1326 = arith.constant 0.000000e+00 : f32
      %max3A_1327 = vector.broadcast %max3A_1326 : f32 to vector<16xf32>
      %max3A_1328 = arith.maximumf %add3A_1325, %max3A_1327 : vector<16xf32>
      %add3A_1329 = arith.addf %add3A_1249, %max3A_1328 : vector<16xf32>
      %add3A_1330 = arith.constant 20480 : i32
      %add3A_1331 = vector.broadcast %add3A_1330 : i32 to vector<16xi32>
      %add3A_1332 = arith.addi %get3A_1291, %add3A_1331 : vector<16xi32>
      %gather3A_1333 = tpu.vector_load_idx %arg6[%add3A_1332] : memref<40960xi32, #tpu.memory_space<vmem>>[vector<16xi32>], vector<16xi32>,
      %shift_left3A_1334 = arith.constant 16 : i32
      %shift_left3A_1335 = vector.broadcast %shift_left3A_1334 : i32 to vector<16xi32>
      %shift_left3A_1336 = arith.shli %gather3A_1333, %shift_left3A_1335 : vector<16xi32>
      %bitcast3A_1337 = vector.bitcast %shift_left3A_1336 : vector<16xi32> to vector<16xf32>
      %bitcast3A_1338 = vector.bitcast %gather3A_1333 : vector<16xi32> to vector<16xf32>
      %add3A_1339 = arith.addf %bitcast3A_1337, %get3A_70 : vector<16xf32>
      %max3A_1340 = arith.constant 0.000000e+00 : f32
      %max3A_1341 = vector.broadcast %max3A_1340 : f32 to vector<16xf32>
      %max3A_1342 = arith.maximumf %add3A_1339, %max3A_1341 : vector<16xf32>
      %add3A_1343 = arith.addf %add3A_1263, %max3A_1342 : vector<16xf32>
      %add3A_1344 = arith.addf %bitcast3A_1338, %get3A_86 : vector<16xf32>
      %max3A_1345 = arith.constant 0.000000e+00 : f32
      %max3A_1346 = vector.broadcast %max3A_1345 : f32 to vector<16xf32>
      %max3A_1347 = arith.maximumf %add3A_1344, %max3A_1346 : vector<16xf32>
      %add3A_1348 = arith.addf %add3A_1268, %max3A_1347 : vector<16xf32>
      %add3A_1349 = arith.constant 30720 : i32
      %add3A_1350 = vector.broadcast %add3A_1349 : i32 to vector<16xi32>
      %add3A_1351 = arith.addi %get3A_1291, %add3A_1350 : vector<16xi32>
      %gather3A_1352 = tpu.vector_load_idx %arg6[%add3A_1351] : memref<40960xi32, #tpu.memory_space<vmem>>[vector<16xi32>], vector<16xi32>,
      %shift_left3A_1353 = arith.constant 16 : i32
      %shift_left3A_1354 = vector.broadcast %shift_left3A_1353 : i32 to vector<16xi32>
      %shift_left3A_1355 = arith.shli %gather3A_1352, %shift_left3A_1354 : vector<16xi32>
      %bitcast3A_1356 = vector.bitcast %shift_left3A_1355 : vector<16xi32> to vector<16xf32>
      %bitcast3A_1357 = vector.bitcast %gather3A_1352 : vector<16xi32> to vector<16xf32>
      %add3A_1358 = arith.addf %bitcast3A_1356, %get3A_74 : vector<16xf32>
      %max3A_1359 = arith.constant 0.000000e+00 : f32
      %max3A_1360 = vector.broadcast %max3A_1359 : f32 to vector<16xf32>
      %max3A_1361 = arith.maximumf %add3A_1358, %max3A_1360 : vector<16xf32>
      %add3A_1362 = arith.addf %add3A_1282, %max3A_1361 : vector<16xf32>
      %add3A_1363 = arith.addf %bitcast3A_1357, %get3A_90 : vector<16xf32>
      %max3A_1364 = arith.constant 0.000000e+00 : f32
      %max3A_1365 = vector.broadcast %max3A_1364 : f32 to vector<16xf32>
      %max3A_1366 = arith.maximumf %add3A_1363, %max3A_1365 : vector<16xf32>
      %add3A_1367 = arith.addf %add3A_1287, %max3A_1366 : vector<16xf32>
      %swap3A = arith.constant 0 : i32
      %swap3A_1368 = arith.index_cast %swap3A : i32 to index
      %swap3A_1369 = arith.index_cast %multiple_of3A : i32 to index
      %swap3A_1370 = tpu.vector_load %arg9[%swap3A_1368, %swap3A_1369] {strides = array<i32>} : memref<8x1280xf32, #tpu.memory_space<vmem>>, vector<16xf32>,
      tpu.vector_store %arg9[%swap3A_1368, %swap3A_1369], %add3A_1305 {strides = array<i32>} : memref<8x1280xf32, #tpu.memory_space<vmem>>, vector<16xf32>,
      %swap3A_1371 = arith.constant 1 : i32
      %swap3A_1372 = arith.index_cast %swap3A_1371 : i32 to index
      %swap3A_1373 = arith.index_cast %multiple_of3A : i32 to index
      %swap3A_1374 = tpu.vector_load %arg9[%swap3A_1372, %swap3A_1373] {strides = array<i32>} : memref<8x1280xf32, #tpu.memory_space<vmem>>, vector<16xf32>,
      tpu.vector_store %arg9[%swap3A_1372, %swap3A_1373], %add3A_1324 {strides = array<i32>} : memref<8x1280xf32, #tpu.memory_space<vmem>>, vector<16xf32>,
      %swap3A_1375 = arith.constant 2 : i32
      %swap3A_1376 = arith.index_cast %swap3A_1375 : i32 to index
      %swap3A_1377 = arith.index_cast %multiple_of3A : i32 to index
      %swap3A_1378 = tpu.vector_load %arg9[%swap3A_1376, %swap3A_1377] {strides = array<i32>} : memref<8x1280xf32, #tpu.memory_space<vmem>>, vector<16xf32>,
      tpu.vector_store %arg9[%swap3A_1376, %swap3A_1377], %add3A_1343 {strides = array<i32>} : memref<8x1280xf32, #tpu.memory_space<vmem>>, vector<16xf32>,
      %swap3A_1379 = arith.constant 3 : i32
      %swap3A_1380 = arith.index_cast %swap3A_1379 : i32 to index
      %swap3A_1381 = arith.index_cast %multiple_of3A : i32 to index
      %swap3A_1382 = tpu.vector_load %arg9[%swap3A_1380, %swap3A_1381] {strides = array<i32>} : memref<8x1280xf32, #tpu.memory_space<vmem>>, vector<16xf32>,
      tpu.vector_store %arg9[%swap3A_1380, %swap3A_1381], %add3A_1362 {strides = array<i32>} : memref<8x1280xf32, #tpu.memory_space<vmem>>, vector<16xf32>,
      %swap3A_1383 = arith.constant 4 : i32
      %swap3A_1384 = arith.index_cast %swap3A_1383 : i32 to index
      %swap3A_1385 = arith.index_cast %multiple_of3A : i32 to index
      %swap3A_1386 = tpu.vector_load %arg9[%swap3A_1384, %swap3A_1385] {strides = array<i32>} : memref<8x1280xf32, #tpu.memory_space<vmem>>, vector<16xf32>,
      tpu.vector_store %arg9[%swap3A_1384, %swap3A_1385], %add3A_1310 {strides = array<i32>} : memref<8x1280xf32, #tpu.memory_space<vmem>>, vector<16xf32>,
      %swap3A_1387 = arith.constant 5 : i32
      %swap3A_1388 = arith.index_cast %swap3A_1387 : i32 to index
      %swap3A_1389 = arith.index_cast %multiple_of3A : i32 to index
      %swap3A_1390 = tpu.vector_load %arg9[%swap3A_1388, %swap3A_1389] {strides = array<i32>} : memref<8x1280xf32, #tpu.memory_space<vmem>>, vector<16xf32>,
      tpu.vector_store %arg9[%swap3A_1388, %swap3A_1389], %add3A_1329 {strides = array<i32>} : memref<8x1280xf32, #tpu.memory_space<vmem>>, vector<16xf32>,
      %swap3A_1391 = arith.constant 6 : i32
      %swap3A_1392 = arith.index_cast %swap3A_1391 : i32 to index
      %swap3A_1393 = arith.index_cast %multiple_of3A : i32 to index
      %swap3A_1394 = tpu.vector_load %arg9[%swap3A_1392, %swap3A_1393] {strides = array<i32>} : memref<8x1280xf32, #tpu.memory_space<vmem>>, vector<16xf32>,
      tpu.vector_store %arg9[%swap3A_1392, %swap3A_1393], %add3A_1348 {strides = array<i32>} : memref<8x1280xf32, #tpu.memory_space<vmem>>, vector<16xf32>,
      %swap3A_1395 = arith.constant 7 : i32
      %swap3A_1396 = arith.index_cast %swap3A_1395 : i32 to index
      %swap3A_1397 = arith.index_cast %multiple_of3A : i32 to index
      %swap3A_1398 = tpu.vector_load %arg9[%swap3A_1396, %swap3A_1397] {strides = array<i32>} : memref<8x1280xf32, #tpu.memory_space<vmem>>, vector<16xf32>,
      tpu.vector_store %arg9[%swap3A_1396, %swap3A_1397], %add3A_1367 {strides = array<i32>} : memref<8x1280xf32, #tpu.memory_space<vmem>>, vector<16xf32>,
    }
    %scan3A_56 = arith.constant 80 : i32
    "tpu.region"() ({
      %run_scoped3A = tpu.sem_alloc : memref<!tpu.dma_semaphore, #tpu.memory_space<semaphore_mem>>
      %dma_start3A_57 = arith.constant 0 : i32
      %dma_start3A_58 = tpu.memref_slice %arg5[%select_n3A, %dma_start3A_57, %mul3A_21] : memref<4x8x10240xf32, #tpu.memory_space<hbm>> -> memref<1x8x1280xf32, #tpu.memory_space<hbm>>
      %dma_start3A_59 = tpu.memref_squeeze %dma_start3A_58 : memref<1x8x1280xf32, #tpu.memory_space<hbm>> -> memref<8x1280xf32, #tpu.memory_space<hbm>>
      %dma_start3A_60 = arith.constant 0 : i32
      %dma_start3A_61 = tpu.memref_slice %arg5[%select_n3A, %dma_start3A_60, %mul3A_21] : memref<4x8x10240xf32, #tpu.memory_space<hbm>> -> memref<1x8x1280xf32, #tpu.memory_space<hbm>>
      %dma_start3A_62 = tpu.memref_squeeze %dma_start3A_61 : memref<1x8x1280xf32, #tpu.memory_space<hbm>> -> memref<8x1280xf32, #tpu.memory_space<hbm>>
      tpu.enqueue_dma source(%arg9 : memref<8x1280xf32, #tpu.memory_space<vmem>>) target(%dma_start3A_62 : memref<8x1280xf32, #tpu.memory_space<hbm>>) target_semaphore(%run_scoped3A : memref<!tpu.dma_semaphore, #tpu.memory_space<semaphore_mem>>)
      %dma_wait3A_63 = arith.constant 0 : i32
      %dma_wait3A_64 = tpu.memref_slice %arg5[%select_n3A, %dma_wait3A_63, %mul3A_21] : memref<4x8x10240xf32, #tpu.memory_space<hbm>> -> memref<1x8x1280xf32, #tpu.memory_space<hbm>>
      %dma_wait3A_65 = tpu.memref_squeeze %dma_wait3A_64 : memref<1x8x1280xf32, #tpu.memory_space<hbm>> -> memref<8x1280xf32, #tpu.memory_space<hbm>>
      %dma_wait3A_66 = arith.constant 0 : i32
      %dma_wait3A_67 = tpu.memref_slice %arg5[%select_n3A, %dma_wait3A_66, %mul3A_21] : memref<4x8x10240xf32, #tpu.memory_space<hbm>> -> memref<1x8x1280xf32, #tpu.memory_space<hbm>>
      %dma_wait3A_68 = tpu.memref_squeeze %dma_wait3A_67 : memref<1x8x1280xf32, #tpu.memory_space<hbm>> -> memref<8x1280xf32, #tpu.memory_space<hbm>>
      tpu.wait_dma2 semaphore(%run_scoped3A : memref<!tpu.dma_semaphore, #tpu.memory_space<semaphore_mem>>) src(%arg9 : memref<8x1280xf32, #tpu.memory_space<vmem>>) dst(%dma_wait3A_68 : memref<8x1280xf32, #tpu.memory_space<hbm>>)
      tpu.yield
    }) : () -> ()
    return
  }
}

module attributes {stable_mosaic.version = 14 : i64} {
  func.func @body(%arg0: memref<32x10240xf32, #tpu.memory_space<vmem>>, %arg1: memref<32x32xf32, #tpu.memory_space<vmem>>, %arg2: memref<1x32xf32, #tpu.memory_space<vmem>>, %arg3: memref<10240x32xf32, #tpu.memory_space<vmem>>) attributes {dimension_semantics = [], scalar_prefetch = 0 : i64, scratch_operands = 0 : i64, tpu.core_type = #tpu.core_type<tc>} {
    %get3A = arith.constant 0 : index
    %get3A_0 = arith.constant 0 : index
    %get3A_1 = vector.load %arg0[%get3A, %get3A_0] : memref<32x10240xf32, #tpu.memory_space<vmem>>, vector<32x10240xf32>
    %get3A_2 = arith.constant 0 : index
    %get3A_3 = arith.constant 0 : index
    %get3A_4 = vector.load %arg1[%get3A_2, %get3A_3] : memref<32x32xf32, #tpu.memory_space<vmem>>, vector<32x32xf32>
    %dot_general3A = arith.constant dense<0.000000e+00> : vector<10240x32xf32>
    %dot_general3A_5 = tpu.matmul %get3A_1, %get3A_4, %dot_general3A {dimension_numbers = #tpu.dot_dimension_numbers<[0], [0], [1], [1], [0, 1, 1, 1], [], []>, transpose_lhs_hint = false} : vector<32x10240xf32>, vector<32x32xf32>, vector<10240x32xf32> -> vector<10240x32xf32>
    %get3A_6 = arith.constant 0 : index
    %get3A_7 = arith.constant 0 : index
    %get3A_8 = vector.load %arg2[%get3A_6, %get3A_7] : memref<1x32xf32, #tpu.memory_space<vmem>>, vector<1x32xf32>
    %add3A = vector.broadcast %get3A_8 : vector<1x32xf32> to vector<10240x32xf32>
    %add3A_9 = arith.addf %dot_general3A_5, %add3A : vector<10240x32xf32>
    %swap3A = arith.constant 0 : index
    %swap3A_10 = arith.constant 0 : index
    %swap3A_11 = vector.load %arg3[%swap3A, %swap3A_10] : memref<10240x32xf32, #tpu.memory_space<vmem>>, vector<10240x32xf32>
    tpu.vector_store %arg3[%swap3A, %swap3A_10], %add3A_9 {strides = array<i32>} : memref<10240x32xf32, #tpu.memory_space<vmem>>, vector<10240x32xf32>,
    return
  }
}

module attributes {stable_mosaic.version = 14 : i64} {
  func.func @body(%arg0: memref<3x10240xf32, #tpu.memory_space<vmem>>, %arg1: memref<6x32xf32, #tpu.memory_space<vmem>>, %arg2: memref<32xf32, #tpu.memory_space<vmem>>, %arg3: memref<32x256xf32, #tpu.memory_space<vmem>>, %arg4: memref<256xf32, #tpu.memory_space<vmem>>, %arg5: memref<256x32xf32, #tpu.memory_space<vmem>>, %arg6: memref<32xf32, #tpu.memory_space<vmem>>, %arg7: memref<4x40960xi32, #tpu.memory_space<vmem>>, %arg8: memref<4x8x10240xf32, #tpu.memory_space<vmem>>, %arg9: memref<32x32xf32, #tpu.memory_space<vmem>>, %arg10: memref<1x32xf32, #tpu.memory_space<vmem>>) attributes {dimension_semantics = [], scalar_prefetch = 0 : i64, scratch_operands = 0 : i64, tpu.core_type = #tpu.core_type<tc>} {
    %get3A = arith.constant 0 : index
    %get3A_0 = arith.constant 0 : index
    %get3A_1 = vector.load %arg1[%get3A, %get3A_0] : memref<6x32xf32, #tpu.memory_space<vmem>>, vector<6x32xf32>
    %get3A_2 = arith.constant 0 : index
    %get3A_3 = arith.constant 0 : index
    %get3A_4 = vector.load %arg0[%get3A_2, %get3A_3] : memref<3x10240xf32, #tpu.memory_space<vmem>>, vector<3x10240xf32>
    %slice3A = vector.extract_strided_slice %get3A_1 {offsets = [3, 0], sizes = [1, 32], strides = [1, 1]} : vector<6x32xf32> to vector<1x32xf32>
    %squeeze3A = vector.shape_cast %slice3A : vector<1x32xf32> to vector<32xf32>
    %broadcast_in_dim3A = vector.shape_cast %squeeze3A : vector<32xf32> to vector<32x1xf32>
    %slice3A_5 = vector.extract_strided_slice %get3A_4 {offsets = [0, 0], sizes = [1, 10240], strides = [1, 1]} : vector<3x10240xf32> to vector<1x10240xf32>
    %mul3A = vector.broadcast %broadcast_in_dim3A : vector<32x1xf32> to vector<32x10240xf32>
    %mul3A_6 = vector.broadcast %slice3A_5 : vector<1x10240xf32> to vector<32x10240xf32>
    %mul3A_7 = arith.mulf %mul3A, %mul3A_6 : vector<32x10240xf32>
    %slice3A_8 = vector.extract_strided_slice %get3A_1 {offsets = [4, 0], sizes = [1, 32], strides = [1, 1]} : vector<6x32xf32> to vector<1x32xf32>
    %squeeze3A_9 = vector.shape_cast %slice3A_8 : vector<1x32xf32> to vector<32xf32>
    %broadcast_in_dim3A_10 = vector.shape_cast %squeeze3A_9 : vector<32xf32> to vector<32x1xf32>
    %slice3A_11 = vector.extract_strided_slice %get3A_4 {offsets = [1, 0], sizes = [1, 10240], strides = [1, 1]} : vector<3x10240xf32> to vector<1x10240xf32>
    %mul3A_12 = vector.broadcast %broadcast_in_dim3A_10 : vector<32x1xf32> to vector<32x10240xf32>
    %mul3A_13 = vector.broadcast %slice3A_11 : vector<1x10240xf32> to vector<32x10240xf32>
    %mul3A_14 = arith.mulf %mul3A_12, %mul3A_13 : vector<32x10240xf32>
    %add3A = arith.addf %mul3A_7, %mul3A_14 : vector<32x10240xf32>
    %slice3A_15 = vector.extract_strided_slice %get3A_1 {offsets = [5, 0], sizes = [1, 32], strides = [1, 1]} : vector<6x32xf32> to vector<1x32xf32>
    %squeeze3A_16 = vector.shape_cast %slice3A_15 : vector<1x32xf32> to vector<32xf32>
    %broadcast_in_dim3A_17 = vector.shape_cast %squeeze3A_16 : vector<32xf32> to vector<32x1xf32>
    %slice3A_18 = vector.extract_strided_slice %get3A_4 {offsets = [2, 0], sizes = [1, 10240], strides = [1, 1]} : vector<3x10240xf32> to vector<1x10240xf32>
    %mul3A_19 = vector.broadcast %broadcast_in_dim3A_17 : vector<32x1xf32> to vector<32x10240xf32>
    %mul3A_20 = vector.broadcast %slice3A_18 : vector<1x10240xf32> to vector<32x10240xf32>
    %mul3A_21 = arith.mulf %mul3A_19, %mul3A_20 : vector<32x10240xf32>
    %add3A_22 = arith.addf %add3A, %mul3A_21 : vector<32x10240xf32>
    %slice3A_23 = vector.extract_strided_slice %get3A_1 {offsets = [0, 0], sizes = [1, 32], strides = [1, 1]} : vector<6x32xf32> to vector<1x32xf32>
    %squeeze3A_24 = vector.shape_cast %slice3A_23 : vector<1x32xf32> to vector<32xf32>
    %broadcast_in_dim3A_25 = vector.shape_cast %squeeze3A_24 : vector<32xf32> to vector<32x1xf32>
    %slice3A_26 = vector.extract_strided_slice %get3A_4 {offsets = [0, 0], sizes = [1, 10240], strides = [1, 1]} : vector<3x10240xf32> to vector<1x10240xf32>
    %mul3A_27 = vector.broadcast %broadcast_in_dim3A_25 : vector<32x1xf32> to vector<32x10240xf32>
    %mul3A_28 = vector.broadcast %slice3A_26 : vector<1x10240xf32> to vector<32x10240xf32>
    %mul3A_29 = arith.mulf %mul3A_27, %mul3A_28 : vector<32x10240xf32>
    %slice3A_30 = vector.extract_strided_slice %get3A_1 {offsets = [1, 0], sizes = [1, 32], strides = [1, 1]} : vector<6x32xf32> to vector<1x32xf32>
    %squeeze3A_31 = vector.shape_cast %slice3A_30 : vector<1x32xf32> to vector<32xf32>
    %broadcast_in_dim3A_32 = vector.shape_cast %squeeze3A_31 : vector<32xf32> to vector<32x1xf32>
    %slice3A_33 = vector.extract_strided_slice %get3A_4 {offsets = [1, 0], sizes = [1, 10240], strides = [1, 1]} : vector<3x10240xf32> to vector<1x10240xf32>
    %mul3A_34 = vector.broadcast %broadcast_in_dim3A_32 : vector<32x1xf32> to vector<32x10240xf32>
    %mul3A_35 = vector.broadcast %slice3A_33 : vector<1x10240xf32> to vector<32x10240xf32>
    %mul3A_36 = arith.mulf %mul3A_34, %mul3A_35 : vector<32x10240xf32>
    %add3A_37 = arith.addf %mul3A_29, %mul3A_36 : vector<32x10240xf32>
    %slice3A_38 = vector.extract_strided_slice %get3A_1 {offsets = [2, 0], sizes = [1, 32], strides = [1, 1]} : vector<6x32xf32> to vector<1x32xf32>
    %squeeze3A_39 = vector.shape_cast %slice3A_38 : vector<1x32xf32> to vector<32xf32>
    %broadcast_in_dim3A_40 = vector.shape_cast %squeeze3A_39 : vector<32xf32> to vector<32x1xf32>
    %slice3A_41 = vector.extract_strided_slice %get3A_4 {offsets = [2, 0], sizes = [1, 10240], strides = [1, 1]} : vector<3x10240xf32> to vector<1x10240xf32>
    %mul3A_42 = vector.broadcast %broadcast_in_dim3A_40 : vector<32x1xf32> to vector<32x10240xf32>
    %mul3A_43 = vector.broadcast %slice3A_41 : vector<1x10240xf32> to vector<32x10240xf32>
    %mul3A_44 = arith.mulf %mul3A_42, %mul3A_43 : vector<32x10240xf32>
    %add3A_45 = arith.addf %add3A_37, %mul3A_44 : vector<32x10240xf32>
    %get3A_46 = arith.constant 0 : index
    %get3A_47 = vector.load %arg2[%get3A_46] : memref<32xf32, #tpu.memory_space<vmem>>, vector<32xf32>
    %broadcast_in_dim3A_48 = vector.shape_cast %get3A_47 : vector<32xf32> to vector<32x1xf32>
    %add3A_49 = vector.broadcast %broadcast_in_dim3A_48 : vector<32x1xf32> to vector<32x10240xf32>
    %add3A_50 = arith.addf %add3A_45, %add3A_49 : vector<32x10240xf32>
    %reshape3A = vector.shape_cast %add3A_50 : vector<32x10240xf32> to vector<4x8x10240xf32>
    %swap3A = arith.constant 0 : index
    %swap3A_51 = arith.constant 0 : index
    %swap3A_52 = arith.constant 0 : index
    %swap3A_53 = vector.load %arg8[%swap3A, %swap3A_51, %swap3A_52] : memref<4x8x10240xf32, #tpu.memory_space<vmem>>, vector<4x8x10240xf32>
    tpu.vector_store %arg8[%swap3A, %swap3A_51, %swap3A_52], %reshape3A {strides = array<i32>} : memref<4x8x10240xf32, #tpu.memory_space<vmem>>, vector<4x8x10240xf32>,
    %reshape3A_54 = vector.shape_cast %add3A_22 : vector<32x10240xf32> to vector<4x2x4x10240xf32>
    %slice3A_55 = vector.extract_strided_slice %reshape3A_54 {offsets = [0, 0, 0, 0], sizes = [4, 1, 4, 10240], strides = [1, 1, 1, 1]} : vector<4x2x4x10240xf32> to vector<4x1x4x10240xf32>
    %squeeze3A_56 = vector.shape_cast %slice3A_55 : vector<4x1x4x10240xf32> to vector<4x4x10240xf32>
    %bitcast_convert_type3A = tpu.bitcast %squeeze3A_56 : vector<4x4x10240xf32> -> vector<4x4x10240xi32>
    %add3A_57 = arith.constant 32768 : i32
    %add3A_58 = vector.broadcast %add3A_57 : i32 to vector<4x4x10240xi32>
    %add3A_59 = arith.addi %bitcast_convert_type3A, %add3A_58 : vector<4x4x10240xi32>
    %slice3A_60 = vector.extract_strided_slice %reshape3A_54 {offsets = [0, 1, 0, 0], sizes = [4, 1, 4, 10240], strides = [1, 1, 1, 1]} : vector<4x2x4x10240xf32> to vector<4x1x4x10240xf32>
    %squeeze3A_61 = vector.shape_cast %slice3A_60 : vector<4x1x4x10240xf32> to vector<4x4x10240xf32>
    %bitcast_convert_type3A_62 = tpu.bitcast %squeeze3A_61 : vector<4x4x10240xf32> -> vector<4x4x10240xi32>
    %add3A_63 = arith.constant 32768 : i32
    %add3A_64 = vector.broadcast %add3A_63 : i32 to vector<4x4x10240xi32>
    %add3A_65 = arith.addi %bitcast_convert_type3A_62, %add3A_64 : vector<4x4x10240xi32>
    %shift_right_logical3A = arith.constant 16 : i32
    %shift_right_logical3A_66 = vector.broadcast %shift_right_logical3A : i32 to vector<4x4x10240xi32>
    %shift_right_logical3A_67 = arith.shrui %add3A_59, %shift_right_logical3A_66 : vector<4x4x10240xi32>
    %and3A = arith.constant -65536 : i32
    %and3A_68 = vector.broadcast %and3A : i32 to vector<4x4x10240xi32>
    %and3A_69 = arith.andi %add3A_65, %and3A_68 : vector<4x4x10240xi32>
    %or3A = arith.ori %shift_right_logical3A_67, %and3A_69 : vector<4x4x10240xi32>
    %reshape3A_70 = vector.shape_cast %or3A : vector<4x4x10240xi32> to vector<4x40960xi32>
    %swap3A_71 = arith.constant 0 : index
    %swap3A_72 = arith.constant 0 : index
    %swap3A_73 = vector.load %arg7[%swap3A_71, %swap3A_72] : memref<4x40960xi32, #tpu.memory_space<vmem>>, vector<4x40960xi32>
    tpu.vector_store %arg7[%swap3A_71, %swap3A_72], %reshape3A_70 {strides = array<i32>} : memref<4x40960xi32, #tpu.memory_space<vmem>>, vector<4x40960xi32>,
    %get3A_74 = arith.constant 0 : index
    %get3A_75 = arith.constant 0 : index
    %get3A_76 = vector.load %arg3[%get3A_74, %get3A_75] : memref<32x256xf32, #tpu.memory_space<vmem>>, vector<32x256xf32>
    %get3A_77 = arith.constant 0 : index
    %get3A_78 = arith.constant 0 : index
    %get3A_79 = vector.load %arg5[%get3A_77, %get3A_78] : memref<256x32xf32, #tpu.memory_space<vmem>>, vector<256x32xf32>
    %dot_general3A = arith.constant dense<0.000000e+00> : vector<32x32xf32>
    %dot_general3A_80 = tpu.matmul %get3A_76, %get3A_79, %dot_general3A {dimension_numbers = #tpu.dot_dimension_numbers<[1], [0], [0], [1], [0, 0, 1, 1], [], []>, precision = #tpu.contract_precision<fp32>, transpose_lhs_hint = false} : vector<32x256xf32>, vector<256x32xf32>, vector<32x32xf32> -> vector<32x32xf32>
    %swap3A_81 = arith.constant 0 : index
    %swap3A_82 = arith.constant 0 : index
    %swap3A_83 = vector.load %arg9[%swap3A_81, %swap3A_82] : memref<32x32xf32, #tpu.memory_space<vmem>>, vector<32x32xf32>
    tpu.vector_store %arg9[%swap3A_81, %swap3A_82], %dot_general3A_80 {strides = array<i32>} : memref<32x32xf32, #tpu.memory_space<vmem>>, vector<32x32xf32>,
    %get3A_84 = arith.constant 0 : index
    %get3A_85 = vector.load %arg4[%get3A_84] : memref<256xf32, #tpu.memory_space<vmem>>, vector<256xf32>
    %broadcast_in_dim3A_86 = vector.shape_cast %get3A_85 : vector<256xf32> to vector<1x256xf32>
    %get3A_87 = arith.constant 0 : index
    %get3A_88 = arith.constant 0 : index
    %get3A_89 = vector.load %arg5[%get3A_87, %get3A_88] : memref<256x32xf32, #tpu.memory_space<vmem>>, vector<256x32xf32>
    %dot_general3A_90 = arith.constant dense<0.000000e+00> : vector<1x32xf32>
    %dot_general3A_91 = tpu.matmul %broadcast_in_dim3A_86, %get3A_89, %dot_general3A_90 {dimension_numbers = #tpu.dot_dimension_numbers<[1], [0], [0], [1], [0, 0, 1, 1], [], []>, precision = #tpu.contract_precision<fp32>, transpose_lhs_hint = false} : vector<1x256xf32>, vector<256x32xf32>, vector<1x32xf32> -> vector<1x32xf32>
    %mul3A_92 = arith.constant 1.600000e+01 : f32
    %mul3A_93 = vector.broadcast %mul3A_92 : f32 to vector<1x32xf32>
    %mul3A_94 = arith.mulf %mul3A_93, %dot_general3A_91 : vector<1x32xf32>
    %get3A_95 = arith.constant 0 : index
    %get3A_96 = vector.load %arg6[%get3A_95] : memref<32xf32, #tpu.memory_space<vmem>>, vector<32xf32>
    %broadcast_in_dim3A_97 = vector.shape_cast %get3A_96 : vector<32xf32> to vector<1x32xf32>
    %add3A_98 = arith.addf %mul3A_94, %broadcast_in_dim3A_97 : vector<1x32xf32>
    %swap3A_99 = arith.constant 0 : index
    %swap3A_100 = arith.constant 0 : index
    %swap3A_101 = vector.load %arg10[%swap3A_99, %swap3A_100] : memref<1x32xf32, #tpu.memory_space<vmem>>, vector<1x32xf32>
    tpu.vector_store %arg10[%swap3A_99, %swap3A_100], %add3A_98 {strides = array<i32>} : memref<1x32xf32, #tpu.memory_space<vmem>>, vector<1x32xf32>,
    return
  }
}

</mosaic_0001>

<sc_bundles>
// kernel: kernel.5.cloned.1.call-start
scs
__scs_entry_jumppad:
0x0: {  	(pc) =	sbr.rel $0x88, $3  }
0x1: {  	(tag) =	ssettag $0x0;
	lr =	simm.s32 $0x1  }
0x2: {  	[smem:$0x3F99] =	sst lr;
	_ =	strace $0xD0000000  }
0x3: {  	_ = 	snop  }
0x4: {  	_ = 	snop  }
0x5: {  	_ = 	snop  }
0x6: {  	_ = 	snop  }
0x7: {  	_ = 	snop  }
__scs_overlays_trampoline_lowered:
0x8: {  	[smem:$0x3FA8] =	sst s0  }
0x9: {  	[smem:$0x3FA9] =	sst s1  }
0xa: {  	[smem:$0x3FAA] =	sst s2  }
0xb: {  	[smem:$0x3FAB] =	sst s3  }
0xc: {  	[smem:$0x3FAC] =	sst s4  }
0xd: {  	[smem:$0x3FAD] =	sst s5  }
0xe: {  	[smem:$0x3FAE] =	sst s6  }
0xf: {  	[smem:$0x3FAF] =	sst s7  }
0x10: {  	[smem:$0x3FB0] =	sst s8  }
0x11: {  	[smem:$0x3FB1] =	sst s9;
	s0 =	simm.s32 @!p0 $0x0  }
0x12: {  	s1 =	sld [smem:$0x3F97];
	s0 =	simm.s32 @p0 $0x1  }
0x13: {  	[smem:$0x3FB2] =	sst s0;
	s0 =	simm.s32 @!p1 $0x0  }
0x14: {  	s2 =	sld [smem:$0x3F96];
	s0 =	simm.s32 @p1 $0x1  }
0x15: {  	[smem:$0x3FB3] =	sst s0;
	s0 =	simm.s32 @!p2 $0x0  }
0x16: {  	s3 =	sld [smem:$0x3FDB];
	s0 =	simm.s32 @p2 $0x1  }
0x17: {  	s4 =	simm.s32 $0x1BF5;
	[smem:$0x3FB5] =	sst s0  }
0x18: {  	s0 =	sld [smem:$0x3F98];
	_ =	swait.ge [sflag:s4], $0x0  }
0x19: {  	s7 =	sld [smem:$0x3F99]  }
0x1a: {  	s8 =	sadd.s32 $0xFFFFE003, lr  }
0x1b: {  	s9 =	sadd.s32 $0xFFFFFEF7, lr;
	s5 =	simm.s32 $0xFFFFFFFF;
	p2 =	slt.u32 s8, $0xFFFFF086  }
0x1c: {  	p1 =	slt.u32 s9, $0xF7A;
	s5 =	simm.s32 @!p2 $0x0  }
0x1d: {  	s5 =	simm.s32 @p1 $0x1;
	p0 =	seq.s32 s7, s2  }
0x1e: {  	s7 =	smul.u32 @!p0 $0xF7A, s2;
	p2 =	seq.s32 @!p0 s5, $0x0  }
0x1f: {  	s9 =	smul.u32 $0xF7A, s1;
	s8 =	simm.s32 @!p0 $0x1BF5;
	p2 =	por !p2, p0  }
0x20: {  	[sflag:s8] =	ssyncset.s32 @!p0 $0xFFFFF086;
	s6 =	sadd.s32 @!p0 s3, s7;
	s7 =	simm.s32 @!p0 $0x108  }
0x21: {  	s3 =	sadd.s32 s3, s9;
	s6 =	sadd.s32 @!p0 $0x88, s6;
	s7 =	simm.s32 @p2 $0x1082  }
0x22: {  	[simem:s7], [sflag:s8] =	dma.local @!p0 [hbm:s6], $0xF7A  }
0x23: {  	s9 =	sor.u32 $0xD0000000, s2;
	s6 =	simm.s32 $0x108;
	_ =	swait.ge @!p0 [sflag:s8], $0x0  }
0x24: {  	s3 =	sadd.s32 $0x88, s3;
	s6 =	simm.s32 @!p1 $0x1082;
	[sflag:s4] =	ssyncset.s32 $0xFFFFF086  }
0x25: {  	[simem:s6], [sflag:s4] =	dma.local [hbm:s3], $0xF7A  }
0x26: {  	[smem:$0x3F99] =	sst s1;
	(tag) =	ssettag s2;
	_ =	strace s9  }
0x27: {  	s1 =	sld [smem:$0x3FA9]  }
0x28: {  	s2 =	sld [smem:$0x3FAA]  }
0x29: {  	s4 =	sld [smem:$0x3FAC]  }
0x2a: {  	p0 =	seq.s32 s5, $0x0;
	s5 =	sld [smem:$0x3FAD]  }
0x2b: {  	s6 =	sld [smem:$0x3FAE]  }
0x2c: {  	s7 =	sld [smem:$0x3FAF]  }
0x2d: {  	s3 =	simm.s32 $0x108;
	s8 =	sld [smem:$0x3FB0]  }
0x2e: {  	s3 =	simm.s32 @!p0 $0x1082;
	s9 =	sld [smem:$0x3FB1]  }
0x2f: {  	lr =	sadd.s32 s0, s3;
	s0 =	sld [smem:$0x3FA8]  }
0x30: {  	s3 =	sld [smem:$0x3FAB]  }
0x31: {  	[smem:$0x3FB4] =	sst s10  }
0x32: {  	s10 =	sld [smem:$0x3FB2];
	_ =	sdelay $0x3  }
0x33: {  	p0 =	seq.s32 s10, $0x1;
	s10 =	sld [smem:$0x3FB4];
	_ =	sdelay $0x3  }
0x34: {  	[smem:$0x3FB4] =	sst s10  }
0x35: {  	s10 =	sld [smem:$0x3FB3];
	_ =	sdelay $0x3  }
0x36: {  	p1 =	seq.s32 s10, $0x1;
	s10 =	sld [smem:$0x3FB4];
	_ =	sdelay $0x3  }
0x37: {  	[smem:$0x3FB4] =	sst s10  }
0x38: {  	s10 =	sld [smem:$0x3FB5]  }
0x39: {  	_ = 	snop;
	(pc) =	sbr.ind lr, $3  }
0x3a: {  	_ = 	snop  }
0x3b: {  	_ = 	snop  }
0x3c: {  	p2 =	seq.s32 s10, $0x1;
	s10 =	sld [smem:$0x3FB4]  }
0x3d: {  	_ =	shalt  }
0x3e: {  	_ =	shalt  }
0x3f: {  	_ =	shalt  }
0x40: {  	_ =	shalt  }
0x41: {  	_ =	shalt  }
0x42: {  	_ =	shalt  }
0x43: {  	_ =	shalt  }
0x44: {  	_ =	shalt  }
0x45: {  	_ =	shalt  }
0x46: {  	_ =	shalt  }
0x47: {  	_ =	shalt  }
0x48: {  	_ =	shalt  }
0x49: {  	_ =	shalt  }
0x4a: {  	_ =	shalt  }
0x4b: {  	_ =	shalt  }
0x4c: {  	_ =	shalt  }
0x4d: {  	_ =	shalt  }
0x4e: {  	_ =	shalt  }
0x4f: {  	_ =	shalt  }
0x50: {  	_ =	shalt  }
0x51: {  	_ =	shalt  }
0x52: {  	_ =	shalt  }
0x53: {  	_ =	shalt  }
0x54: {  	_ =	shalt  }
0x55: {  	_ =	shalt  }
0x56: {  	_ =	shalt  }
0x57: {  	_ =	shalt  }
0x58: {  	_ =	shalt  }
0x59: {  	_ =	shalt  }
0x5a: {  	_ =	shalt  }
0x5b: {  	_ =	shalt  }
0x5c: {  	_ =	shalt  }
0x5d: {  	_ =	shalt  }
0x5e: {  	_ =	shalt  }
0x5f: {  	_ =	shalt  }
0x60: {  	_ =	shalt  }
0x61: {  	_ =	shalt  }
0x62: {  	_ =	shalt  }
0x63: {  	_ =	shalt  }
0x64: {  	_ =	shalt  }
0x65: {  	_ =	shalt  }
0x66: {  	_ =	shalt  }
0x67: {  	_ =	shalt  }
0x68: {  	_ =	shalt  }
0x69: {  	_ =	shalt  }
0x6a: {  	_ =	shalt  }
0x6b: {  	_ =	shalt  }
0x6c: {  	_ =	shalt  }
0x6d: {  	_ =	shalt  }
0x6e: {  	_ =	shalt  }
0x6f: {  	_ =	shalt  }
0x70: {  	_ =	shalt  }
0x71: {  	_ =	shalt  }
0x72: {  	_ =	shalt  }
0x73: {  	_ =	shalt  }
0x74: {  	_ =	shalt  }
0x75: {  	_ =	shalt  }
0x76: {  	_ =	shalt  }
0x77: {  	_ =	shalt  }
0x78: {  	_ =	shalt  }
0x79: {  	_ =	shalt  }
0x7a: {  	_ =	shalt  }
0x7b: {  	_ =	shalt  }
0x7c: {  	_ =	shalt  }
0x7d: {  	_ =	shalt  }
0x7e: {  	_ =	shalt  }
0x7f: {  	_ =	shalt  }
0x80: {  	_ =	shalt  }
0x81: {  	_ =	shalt  }
0x82: {  	_ =	shalt  }
0x83: {  	_ =	shalt  }
0x84: {  	_ =	shalt  }
0x85: {  	_ =	shalt  }
0x86: {  	_ =	shalt  }
0x87: {  	_ =	shalt  }
.Lfunc_end0:
.L_simem_size_0:
called_computation_lowered:
.L_overlay_start_0:
0x88: {  	s2 =	sld [smem:$0x3FD9]  }
0x89: {  	s3 =	sld [smem:$0x3FFE];
	_ =	sdelay $0x1  }
0x8a: {  	s1 =	srdreg.scid  }
0x8b: {  	s0 =	sand.u32 $0x1, s1  }
0x8c: {  	s17 =	sshll.u32 s0, $0xA;
	s2 =	sadd.s32 s3, s2  }
0x8d: {  	s2 =	sadd.s32 s2, s17  }
0x8e: {  	[smem:$0x3FC0] =	sst s2  }
0x8f: {  	_ = 	snop  }
0x90: {  	s2 =	sld [smem:$0x3FD0];
	(tm) =	ssettm $0x1  }
0x91: {  	s18 =	sld [smem:$0x3FFB];
	_ =	sdelay $0x3  }
0x92: {  	_ =	strace s18  }
0x93: {  	s3 =	sld [smem:$0x3FFC];
	_ =	sdelay $0x3  }
0x94: {  	_ =	strace s3  }
0x95: {  	s3 =	sld [smem:$0x3FFD];
	_ =	sdelay $0x3  }
0x96: {  	_ =	strace s3  }
0x97: {  	_ =	strace $0x8FFFFFFF  }
0x98: {  	s19 =	sld [smem:$0x3FDB];
	_ =	sdelay $0x1  }
0x99: {  	s4 =	simm.s32 $_scs_section_size  }
0x9a: {  	s5 =	simm.s32 $_size__tile_overlayer_lowered;
	s6 =	simm.s32 $_tile_overlayer_lowered  }
0x9b: {  	s22 =	simm.s32 $0x1BFF;
	s21 =	sshll.u32 s6, $0x1;
	s3 =	sadd.s32 s4, s19  }
0x9c: {  	s7 =	simm.s32 $0x0;
	s20 =	sshll.u32 s5, $0x1;
	s5 =	sadd.s32 s21, s3  }
0x9d: {  	[timem:s7], [sflag:s22] =	dma.local [hbm:s5], s20  }
0x9e: {  	_ =	swait.ge [sflag:s22], s20  }
0x9f: {  	s4 =	ssub.s32 $0x0, s20;
	[sflag:s22] =	ssyncset.done $0x0  }
0xa0: {  	[sflag:s22] =	ssyncadd.s32 s4;
	_ =	sdelay $0x1  }
0xa1: {  	s23 =	simm.s32 $0x1B8B  }
0xa2: {  	_ =	swait.ge [sflag:s23], $0x1  }
0xa3: {  	[sflag:s23] =	ssyncset.done $0x0  }
0xa4: {  	s25 =	simm.s32 $0x1B8E;
	s24 =	sld [smem:$0x3FFE];
	[sflag:s23] =	ssyncadd.s32 $0xFFFFFFFF  }
0xa5: {  	s26 =	simm.s32 $execute0_lowered;
	[smem:$0x3FD2] =	sst s25  }
0xa6: {  	s5 =	sshll.u32 s26, $0x1;
	_ =	strace $0x80000046;
	[dreg:$0x1] =	wrdreg $0xFFFFFFFF  }
0xa7: {  	s28 =	simm.s32 $_size_execute0_lowered;
	s3 =	sadd.s32 s3, s5;
	[dreg:$0x0] =	wrdreg $0x0  }
0xa8: {  	s5 =	sshll.u32 s28, $0x1;
	[dreg:$0x2] =	wrdreg s3  }
0xa9: {  	[dreg:$0x3] =	wrdreg s5  }
0xaa: {  	[dreg:$0x4] =	wrdreg $0xC0  }
0xab: {  	_ =	task [dreg:s7], $0x5FFFF  }
0xac: {  	[dreg:$0x1] =	wrdreg $0xFFFFFFFF  }
0xad: {  	[dreg:$0x0] =	wrdreg $0x60  }
0xae: {  	[dreg:$0x2] =	wrdreg s2  }
0xaf: {  	[dreg:$0x3] =	wrdreg s24  }
0xb0: {  	[dreg:$0x4] =	wrdreg $0x9  }
0xb1: {  	_ =	task.clear_ibuf [dreg:s7], $0x5FFFF;
	_ =	strace $0x90000046  }
0xb2: {  	s29 =	simm.s32 $0x9;
	_ =	strace $0x80000048  }
0xb3: {  	_ =	swait.ge [sflag:s29], $0x1  }
0xb4: {  	[sflag:s29] =	ssyncadd.s32 $0xFFFFFFFF  }
0xb5: {  	_ =	strace $0x90000048  }
0xb6: {  	_ =	sfence  }
0xb7: {  	s30 =	sld [smem:$0x0];
	_ =	sdelay $0x2  }
0xb8: {  	s31 =	sshll.u32 s1, $0xD;
	s1 =	sshrl.u32 s1, $0x2  }
0xb9: {  	s3 =	sand.u32 $0x4000, s31;
	s1 =	sadd.s32 s1, s30  }
0xba: {  	s0 =	sor.u32 s3, s0;
	s1 =	sshll.u32 s1, $0x11  }
0xbb: {  	s0 =	sor.u32 s1, s0  }
0xbc: {  	s0 =	sadd.s32 $0x8F2B, s0  }
0xbd: {  	[sflag:s0] =	ssyncadd.remote.s32 $0x1  }
0xbe: {  	_ =	sfence.sel $0xFFFF  }
0xbf: {  	[dreg:$0x0] =	wrdreg $0xFFFFFFFF;
	(pc) =	sbr.abs _section_cstart, $3  }
0xc0: {  	[dreg:$0x1] =	wrdreg $0xFFFFFFFF  }
0xc1: {  	_ =	task.clear_ibuf [dreg:s7], $0x2FFFF;
	_ =	strace $0x9FFFFFFF  }
0xc2: {  	(tm) =	ssettm $0x7FFFFFFF  }
0xc3: {  	_ =	shalt  }
tec
execute0_lowered:
.L_overlay_start_1:
0x0: {  	(tag) =	ssettag $0x1  }
0x1: {  	s1 =	srdreg.scid;
	s5 =	rddreg [dreg:$0x0]  }
0x2: {  	s0 =	stileid.u32;
	s6 =	rddreg [dreg:$0x1]  }
0x3: {  	s10 =	simm.s32 $0xA000;
	s11 =	simm.s32 $0x2800;
	s12 =	simm.s32 $0x14000  }
0x4: {  	s13 =	simm.s32 $0xC800;
	s14 =	simm.s32 $0x1;
	s15 =	simm.s32 $0x11800  }
0x5: {  	s16 =	simm.s32 $0x2;
	s3 =	sand.u32 $0x1, s1;
	s26 =	sshll.u32 s0, $0x1  }
0x6: {  	s17 =	simm.s32 $0x0;
	s4 =	sshrl.u32 s0, $0x2;
	s1 =	sor.u32 s3, s26  }
0x7: {  	s2 =	sshll.u32 s4, $0x3;
	s8 =	smul.u32 $0x14000, s4;
	s3 =	ssub.s32 $0x2, s3  }
0x8: {  	s31 =	sshll.u32 s4, $0x4;
	s7 =	ssub.s32 s1, s2;
	s1 =	rddreg [dreg:$0x2]  }
0x9: {  	s2 =	simm.s32 $0x0;
	s29 =	sshrl.u32 s3, $0x1;
	s7 =	smul.u32 $0x2800, s7  }
0xa: {  	[smem:$0x7FF] =	sst s2;
	s30 =	ssub.s32 s3, s29;
	s3 =	sadd.s32 s5, s31  }
0xb: {  	_ =	strace $0x80000047;
	s9 =	sshrl.u32 s7, $0x3;
	s7 =	sadd.s32 s8, s7  }
0xc: {  	s8 =	simm.s32 $0x80;
	s28 =	sadd.s32 s9, s6;
	s7 =	sshrl.u32 s7, $0x3  }
0xd: {  	s9 =	simm.s32 $0x200;
	s6 =	sadd.s32 s7, s6;
	s5 =	sadd.s32 $0x1400, s28  }
0xe: {  	s7 =	smax.u32 s30, $0x1;
	s4 =	sadd.s32 $0x6400, s6;
	s6 =	sadd.s32 $0x10400, s6  }
.LBB2_1:
0xf: {  	[tilespmem:s2], [sflag:$0x1] =	stream.strided.gather [hbm4b:s3+s8], $0xA000, s9, s8, $0x38;
	[tilespmem:$0x14000] =	vst v63  }
0x10: {  	_ = 	snop  }
0x11: {  	[tilespmem:s10], [sflag:$0x1] =	stream.linear.gather [hbm4b:s4+s2], $0x2800, $0x38;
	[tilespmem:$0x14000] =	vst v63  }
0x12: {  	_ = 	snop  }
0x13: {  	[tilespmem:s13], [sflag:$0x1] =	stream.strided.gather [hbm4b:s5+s11], $0x5000, s12, s11, $0x38;
	[tilespmem:$0x14000] =	vst v63  }
0x14: {  	_ =	swait.ge [sflag:s14], $0xA000  }
0x15: {  	[sflag:s14] =	ssyncset.done $0x0  }
0x16: {  	[sflag:s14] =	ssyncadd.s32 $0xFFFF6000  }
0x17: {  	_ =	swait.ge [sflag:s14], $0x2800  }
0x18: {  	[sflag:s14] =	ssyncset.done $0x0  }
0x19: {  	[sflag:s14] =	ssyncadd.s32 $0xFFFFD800  }
0x1a: {  	_ =	swait.ge [sflag:s14], $0x5000  }
0x1b: {  	s18 =	simm.s32 $0x0;
	[sflag:s14] =	ssyncset.done $0x0  }
0x1c: {  	s19 =	simm.s32 $0x0;
	s20 =	simm.s32 $0x0;
	[sflag:s14] =	ssyncadd.s32 $0xFFFFB000  }
.LBB2_2:
0x1d: {  	s21 =	sand.u32 $0x70, s20;
	s22 =	sand.u32 $0x3C00, s19  }
0x1e: {  	s21 =	sor.u32 s21, s22  }
0x1f: {  	v0 =	vld [tilespmem:s21+$0xC800]  }
0x20: {  	v5 =	vld [tilespmem:s21+$0xA000]  }
0x21: {  	v9 =	vld [tilespmem:s21+$0xC880]  }
0x22: {  	v20 =	vld [tilespmem:s21+$0xC900]  }
0x23: {  	v24 =	vld [tilespmem:s21+$0xC980]  }
0x24: {  	v3 =	vld [tilespmem:s21+$0xA080]  }
0x25: {  	v1 =	vld [tilespmem:s21+$0xA200]  }
0x26: {  	v52 =	vld [tilespmem:s21+$0xCA80]  }
0x27: {  	v2 =	vadd.s32 $0x2800, v0;
	v4 =	vld.idx.msk [tilespmem:v0+s2+$0x0], $0xffff  }
0x28: {  	v6 =	vadd.s32 $0x5000, v0;
	v7 =	vadd.s32 $0x7800, v0;
	v0 =	vld [tilespmem:s21+$0xA280]  }
0x29: {  	v17 =	vld.idx.msk [tilespmem:v9+s2+$0x0], $0xffff  }
0x2a: {  	v62 =	vld.idx.msk [tilespmem:v20+s2+$0x0], $0xffff  }
0x2b: {  	v23 =	vadd.s32 $0x5000, v20;
	v34 =	vld.idx.msk [tilespmem:v24+s2+$0x0], $0xffff  }
0x2c: {  	v14 =	vadd.s32 $0x2800, v9;
	v8 =	vld.idx.msk [tilespmem:v2+s2+$0x0], $0xffff  }
0x2d: {  	v18 =	vadd.s32 $0x5000, v9;
	v11 =	vld.idx.msk [tilespmem:v6+s2+$0x0], $0xffff  }
0x2e: {  	v59 =	vadd.s32 $0x2800, v20;
	v2 =	vld [tilespmem:s21+$0xA300]  }
0x2f: {  	v28 =	vadd.s32 $0x2800, v24;
	v35 =	vadd.s32 $0x5000, v24;
	v38 =	vadd.s32 $0x7800, v24;
	v13 =	vld.idx.msk [tilespmem:v7+s2+$0x0], $0xffff  }
0x30: {  	v9 =	vadd.s32 $0x7800, v9;
	v20 =	vadd.s32 $0x7800, v20;
	v26 =	vld.idx.msk [tilespmem:v23+s2+$0x0], $0xffff;
	v23 =	vadd.s32 $0x7800, v52  }
0x31: {  	v14 =	vld.idx.msk [tilespmem:v14+s2+$0x0], $0xffff;
	v58 =	vshll.u32 v4, $0x10;
	v4 =	vadd.f32 v4, v1;
	v21 =	vshll.u32 v17, $0x10  }
0x32: {  	v18 =	vld.idx.msk [tilespmem:v18+s2+$0x0], $0xffff;
	v17 =	vadd.f32 v17, v1;
	v25 =	vshll.u32 v62, $0x10;
	v27 =	vadd.f32 v62, v1  }
0x33: {  	v6 =	vld [tilespmem:s21+$0xA100];
	v40 =	vshll.u32 v34, $0x10;
	v42 =	vadd.f32 v34, v1;
	v10 =	vadd.f32 v58, v5  }
0x34: {  	v41 =	vld.idx.msk [tilespmem:v35+s2+$0x0], $0xffff;
	v21 =	vadd.f32 v21, v5;
	v12 =	vshll.u32 v8, $0x10;
	v4 =	vmax.f32 v4, $0.0e+00  }
0x35: {  	v7 =	vld [tilespmem:s21+$0xA180];
	v8 =	vadd.f32 v8, v0;
	v16 =	vshll.u32 v11, $0x10;
	v11 =	vadd.f32 v11, v2  }
0x36: {  	v19 =	vshll.u32 v13, $0x10;
	v22 =	vshll.u32 v14, $0x10;
	v17 =	vmax.f32 v17, $0.0e+00  }
0x37: {  	v14 =	vadd.f32 v14, v0;
	v61 =	vshll.u32 v18, $0x10;
	v18 =	vadd.f32 v18, v2  }
0x38: {  	v31 =	vmax.f32 v27, $0.0e+00;
	v33 =	vshll.u32 v26, $0x10;
	v12 =	vadd.f32 v12, v3  }
0x39: {  	v47 =	vshll.u32 v41, $0x10;
	v15 =	vadd.f32 $0.0e+00, v4;
	v16 =	vadd.f32 v16, v6  }
0x3a: {  	s31 =	sand.u32 $0x7, s18;
	v10 =	vmax.f32 v10, $0.0e+00;
	v19 =	vadd.f32 v19, v7;
	v22 =	vadd.f32 v22, v3  }
0x3b: {  	s22 =	sshll.u32 s31, $0x4;
	v21 =	vmax.f32 v21, $0.0e+00;
	v48 =	vadd.f32 v47, v6;
	v10 =	vadd.f32 $0.0e+00, v10  }
0x3c: {  	s22 =	sadd.s32 s22, s19;
	v9 =	vld.idx.msk [tilespmem:v9+s2+$0x0], $0xffff;
	v8 =	vmax.f32 v8, $0.0e+00;
	v11 =	vmax.f32 v11, $0.0e+00;
	v14 =	vmax.f32 v14, $0.0e+00  }
0x3d: {  	s22 =	sor.u32 $0x380, s22;
	v20 =	vld.idx.msk [tilespmem:v20+s2+$0x0], $0xffff;
	v18 =	vmax.f32 v18, $0.0e+00;
	v12 =	vmax.f32 v12, $0.0e+00;
	v8 =	vadd.f32 $0.0e+00, v8  }
0x3e: {  	v4 =	vld [tilespmem:s22+$0xA000];
	v16 =	vmax.f32 v16, $0.0e+00;
	v11 =	vadd.f32 $0.0e+00, v11;
	v15 =	vadd.f32 v17, v15  }
0x3f: {  	v19 =	vmax.f32 v19, $0.0e+00;
	v17 =	vadd.f32 v61, v6;
	v12 =	vadd.f32 $0.0e+00, v12  }
0x40: {  	v23 =	vld.idx.msk [tilespmem:v23+s2+$0x0], $0xffff;
	v60 =	vmax.f32 v22, $0.0e+00;
	v16 =	vadd.f32 $0.0e+00, v16;
	v19 =	vadd.f32 $0.0e+00, v19  }
0x41: {  	v63 =	vshll.u32 v9, $0x10;
	v10 =	vadd.f32 v21, v10;
	v8 =	vadd.f32 v14, v8  }
0x42: {  	v36 =	vshll.u32 v20, $0x10;
	v14 =	vadd.f32 v63, v7;
	v11 =	vadd.f32 v18, v11  }
0x43: {  	v22 =	vld.idx.msk [tilespmem:v28+s2+$0x0], $0xffff;
	v17 =	vmax.f32 v17, $0.0e+00;
	v18 =	vadd.f32 v26, v2;
	v13 =	vadd.f32 v13, v4  }
0x44: {  	v21 =	vld.idx.msk [tilespmem:v59+s2+$0x0], $0xffff;
	v59 =	vadd.s32 $0x2800, v52;
	v12 =	vadd.f32 v60, v12;
	v16 =	vadd.f32 v17, v16  }
0x45: {  	v34 =	vld [tilespmem:s21+$0xCB00];
	v47 =	vshll.u32 v23, $0x10;
	v9 =	vadd.f32 v9, v4;
	v17 =	vadd.f32 v25, v5  }
0x46: {  	v39 =	vadd.f32 v20, v4;
	v20 =	vmax.f32 v42, $0.0e+00;
	v23 =	vadd.f32 v23, v4  }
0x47: {  	v14 =	vmax.f32 v14, $0.0e+00;
	v18 =	vmax.f32 v18, $0.0e+00;
	v13 =	vmax.f32 v13, $0.0e+00  }
0x48: {  	v14 =	vadd.f32 v14, v19;
	v9 =	vmax.f32 v9, $0.0e+00;
	v29 =	vmax.f32 v17, $0.0e+00  }
0x49: {  	v19 =	vadd.f32 v33, v6;
	v11 =	vadd.f32 v18, v11;
	v43 =	vshll.u32 v22, $0x10  }
0x4a: {  	v25 =	vld [tilespmem:s21+$0xCA00];
	v46 =	vadd.f32 v22, v0;
	v18 =	vadd.f32 v41, v2;
	v22 =	vadd.s32 $0x7800, v34  }
0x4b: {  	v13 =	vadd.f32 $0.0e+00, v13;
	v30 =	vshll.u32 v21, $0x10;
	v10 =	vadd.f32 v29, v10  }
0x4c: {  	v32 =	vadd.f32 v21, v0;
	v17 =	vadd.f32 v30, v3;
	v19 =	vmax.f32 v19, $0.0e+00  }
0x4d: {  	v18 =	vmax.f32 v18, $0.0e+00;
	v9 =	vadd.f32 v9, v13;
	v13 =	vadd.f32 v31, v15  }
0x4e: {  	v63 =	vld.idx.msk [tilespmem:v52+s2+$0x0], $0xffff;
	v15 =	vmax.f32 v32, $0.0e+00;
	v37 =	vadd.f32 v19, v16;
	v19 =	vmax.f32 v39, $0.0e+00  }
0x4f: {  	v30 =	vld.idx.msk [tilespmem:v59+s2+$0x0], $0xffff;
	v44 =	vadd.s32 $0x2800, v25;
	v50 =	vadd.s32 $0x5000, v25;
	v53 =	vadd.s32 $0x7800, v25  }
0x50: {  	v11 =	vadd.f32 v18, v11;
	v17 =	vmax.f32 v17, $0.0e+00;
	v8 =	vadd.f32 v15, v8  }
0x51: {  	v16 =	vld.idx.msk [tilespmem:v38+s2+$0x0], $0xffff;
	v31 =	vadd.s32 $0x5000, v52;
	v12 =	vadd.f32 v17, v12;
	v17 =	vadd.f32 v36, v7  }
0x52: {  	v52 =	vmax.f32 v23, $0.0e+00;
	v9 =	vadd.f32 v19, v9;
	v19 =	vadd.f32 v43, v3  }
0x53: {  	v13 =	vadd.f32 v20, v13;
	v36 =	vshll.u32 v63, $0x10;
	v17 =	vmax.f32 v17, $0.0e+00  }
0x54: {  	v49 =	vld.idx.msk [tilespmem:v25+s2+$0x0], $0xffff;
	v45 =	vmax.f32 v19, $0.0e+00;
	v19 =	vmax.f32 v46, $0.0e+00;
	v39 =	vshll.u32 v30, $0x10  }
0x55: {  	v46 =	vadd.s32 $0x5000, v34;
	v14 =	vadd.f32 v17, v14;
	v17 =	vadd.f32 v40, v5  }
0x56: {  	v12 =	vadd.f32 v45, v12;
	v21 =	vld.idx.msk [tilespmem:v44+s2+$0x0], $0xffff;
	v51 =	vshll.u32 v16, $0x10;
	v16 =	vadd.f32 v16, v4  }
0x57: {  	v8 =	vadd.f32 v19, v8;
	v57 =	vld.idx.msk [tilespmem:v50+s2+$0x0], $0xffff;
	v19 =	vadd.f32 v51, v7;
	v17 =	vmax.f32 v17, $0.0e+00  }
0x58: {  	v24 =	vld.idx.msk [tilespmem:v53+s2+$0x0], $0xffff;
	v40 =	vadd.s32 $0x2800, v34;
	v16 =	vmax.f32 v16, $0.0e+00;
	v10 =	vadd.f32 v17, v10  }
0x59: {  	v17 =	vmax.f32 v48, $0.0e+00;
	v54 =	vmax.f32 v19, $0.0e+00;
	v20 =	vadd.f32 v49, v1  }
0x5a: {  	v55 =	vshll.u32 v49, $0x10;
	v9 =	vadd.f32 v16, v9;
	v15 =	vadd.f32 v17, v37  }
0x5b: {  	v43 =	vld.idx.msk [tilespmem:v34+s2+$0x0], $0xffff;
	v14 =	vadd.f32 v54, v14;
	v56 =	vadd.f32 v55, v5;
	v58 =	vshll.u32 v21, $0x10  }
0x5c: {  	v60 =	vmax.f32 v20, $0.0e+00;
	v62 =	vadd.f32 v21, v0;
	v32 =	vadd.f32 v57, v2  }
0x5d: {  	v33 =	vshll.u32 v24, $0x10;
	v24 =	vadd.f32 v24, v4;
	v20 =	vadd.f32 v63, v1  }
0x5e: {  	v28 =	vshll.u32 v57, $0x10;
	v21 =	vadd.f32 v39, v3;
	v19 =	vadd.f32 v58, v3  }
0x5f: {  	v17 =	vmax.f32 v56, $0.0e+00;
	v13 =	vadd.f32 v60, v13;
	v16 =	vadd.f32 v28, v6  }
0x60: {  	v22 =	vld.idx.msk [tilespmem:v22+s2+$0x0], $0xffff;
	v50 =	vshll.u32 v43, $0x10;
	v18 =	vadd.f32 v33, v7;
	v10 =	vadd.f32 v17, v10  }
0x61: {  	v49 =	vld [tilespmem:s22+$0xC800];
	v29 =	vmax.f32 v62, $0.0e+00;
	v35 =	vmax.f32 v32, $0.0e+00;
	v17 =	vadd.f32 v36, v5  }
0x62: {  	v38 =	vmax.f32 v24, $0.0e+00;
	v41 =	vmax.f32 v20, $0.0e+00;
	v42 =	vmax.f32 v21, $0.0e+00  }
0x63: {  	v37 =	vld.idx.msk [tilespmem:v31+s2+$0x0], $0xffff;
	v20 =	vadd.f32 v43, v1;
	v61 =	vmax.f32 v19, $0.0e+00;
	v8 =	vadd.f32 v29, v8  }
0x64: {  	v16 =	vmax.f32 v16, $0.0e+00;
	v11 =	vadd.f32 v35, v11;
	v9 =	vadd.f32 v38, v9  }
0x65: {  	v51 =	vld.idx.msk [tilespmem:v46+s2+$0x0], $0xffff;
	v18 =	vmax.f32 v18, $0.0e+00;
	v19 =	vadd.f32 v30, v0;
	v13 =	vadd.f32 v41, v13  }
0x66: {  	v54 =	vadd.s32 $0x2800, v49;
	v60 =	vadd.s32 $0x5000, v49;
	v29 =	vadd.f32 v22, v4  }
0x67: {  	v48 =	vld.idx.msk [tilespmem:v40+s2+$0x0], $0xffff;
	v63 =	vadd.s32 $0x7800, v49;
	v12 =	vadd.f32 v61, v12;
	v15 =	vadd.f32 v16, v15  }
0x68: {  	v14 =	vadd.f32 v18, v14;
	v17 =	vmax.f32 v17, $0.0e+00;
	v44 =	vshll.u32 v37, $0x10  }
0x69: {  	v16 =	vadd.f32 v37, v2;
	v18 =	vadd.f32 v47, v7;
	v55 =	vmax.f32 v20, $0.0e+00  }
0x6a: {  	v28 =	vld [tilespmem:s21+$0xF000];
	v58 =	vshll.u32 v51, $0x10;
	v61 =	vshll.u32 v22, $0x10;
	v10 =	vadd.f32 v17, v10  }
0x6b: {  	v45 =	vmax.f32 v19, $0.0e+00;
	v17 =	vadd.f32 v44, v6;
	v9 =	vadd.f32 v52, v9  }
0x6c: {  	v53 =	vshll.u32 v48, $0x10;
	v57 =	vadd.f32 v48, v0;
	v13 =	vadd.f32 v55, v13  }
0x6d: {  	v32 =	vmax.f32 v29, $0.0e+00;
	v12 =	vadd.f32 v42, v12;
	v8 =	vadd.f32 v45, v8  }
0x6e: {  	v16 =	vmax.f32 v16, $0.0e+00;
	v18 =	vmax.f32 v18, $0.0e+00;
	v19 =	vadd.f32 v53, v3  }
0x6f: {  	v38 =	vadd.s32 $0x2800, v28;
	v43 =	vadd.s32 $0x5000, v28;
	v11 =	vadd.f32 v16, v11  }
0x70: {  	v29 =	vld [tilespmem:s21+$0xF100];
	v17 =	vmax.f32 v17, $0.0e+00;
	v14 =	vadd.f32 v18, v14;
	v16 =	vadd.f32 v51, v2  }
0x71: {  	v59 =	vld.idx.msk [tilespmem:v49+s2+$0x0], $0xffff;
	v48 =	vadd.s32 $0x7800, v28;
	v9 =	vadd.f32 v32, v9;
	v15 =	vadd.f32 v17, v15  }
0x72: {  	v49 =	vld [tilespmem:s21+$0xF080];
	v17 =	vadd.f32 v50, v5;
	v56 =	vmax.f32 v19, $0.0e+00;
	v19 =	vmax.f32 v57, $0.0e+00  }
0x73: {  	v12 =	vadd.f32 v56, v12;
	v8 =	vadd.f32 v19, v8;
	v16 =	vmax.f32 v16, $0.0e+00  }
0x74: {  	v62 =	vld.idx.msk [tilespmem:v54+s2+$0x0], $0xffff;
	v19 =	vadd.f32 v61, v7;
	v17 =	vmax.f32 v17, $0.0e+00;
	v11 =	vadd.f32 v16, v11  }
0x75: {  	v34 =	vld.idx.msk [tilespmem:v60+s2+$0x0], $0xffff;
	v23 =	vadd.s32 $0x7800, v29;
	v10 =	vadd.f32 v17, v10;
	v17 =	vadd.f32 v58, v6  }
0x76: {  	v37 =	vld.idx.msk [tilespmem:v63+s2+$0x0], $0xffff;
	v30 =	vmax.f32 v19, $0.0e+00;
	v31 =	vshll.u32 v59, $0x10;
	v35 =	vadd.f32 v59, v1  }
0x77: {  	v58 =	vadd.s32 $0x2800, v49;
	v63 =	vadd.s32 $0x5000, v49;
	v24 =	vadd.s32 $0x7800, v49  }
0x78: {  	v53 =	vld.idx.msk [tilespmem:v43+s2+$0x0], $0xffff;
	v43 =	vadd.s32 $0x5000, v29;
	v14 =	vadd.f32 v30, v14;
	v33 =	vadd.f32 v31, v5  }
0x79: {  	v42 =	vld.idx.msk [tilespmem:v28+s2+$0x0], $0xffff;
	v17 =	vmax.f32 v17, $0.0e+00;
	v36 =	vshll.u32 v62, $0x10;
	v16 =	vmax.f32 v35, $0.0e+00  }
0x7a: {  	v40 =	vadd.f32 v62, v0;
	v41 =	vshll.u32 v34, $0x10;
	v45 =	vadd.f32 v34, v2  }
0x7b: {  	v46 =	vshll.u32 v37, $0x10;
	v50 =	vadd.f32 v37, v4;
	v15 =	vadd.f32 v17, v15  }
0x7c: {  	v47 =	vld.idx.msk [tilespmem:v38+s2+$0x0], $0xffff;
	v35 =	vadd.s32 $0x2800, v29;
	v39 =	vadd.f32 v36, v3;
	v13 =	vadd.f32 v16, v13  }
0x7d: {  	v57 =	vld.idx.msk [tilespmem:v48+s2+$0x0], $0xffff;
	v17 =	vmax.f32 v33, $0.0e+00;
	v44 =	vadd.f32 v41, v6;
	v18 =	vadd.f32 v46, v7  }
0x7e: {  	v52 =	vshll.u32 v42, $0x10;
	v21 =	vadd.f32 v42, v1;
	v16 =	vmax.f32 v40, $0.0e+00  }
0x7f: {  	v48 =	vld [tilespmem:s21+$0xF180];
	v10 =	vadd.f32 v17, v10;
	v17 =	vmax.f32 v39, $0.0e+00;
	v8 =	vadd.f32 v16, v8  }
0x80: {  	v16 =	vmax.f32 v45, $0.0e+00;
	v51 =	vmax.f32 v18, $0.0e+00;
	v18 =	vadd.f32 v52, v5  }
0x81: {  	v54 =	vshll.u32 v47, $0x10;
	v56 =	vmax.f32 v21, $0.0e+00;
	v59 =	vadd.f32 v47, v0  }
0x82: {  	v60 =	vshll.u32 v53, $0x10;
	v20 =	vadd.f32 v53, v2;
	v31 =	vadd.f32 v57, v4  }
0x83: {  	v28 =	vshll.u32 v57, $0x10;
	v12 =	vadd.f32 v17, v12;
	v11 =	vadd.f32 v16, v11  }
0x84: {  	v62 =	vld.idx.msk [tilespmem:v49+s2+$0x0], $0xffff;
	v21 =	vadd.s32 $0x7800, v48;
	v14 =	vadd.f32 v51, v14;
	v16 =	vadd.f32 v54, v3  }
0x85: {  	v42 =	vld.idx.msk [tilespmem:v29+s2+$0x0], $0xffff;
	v17 =	vmax.f32 v44, $0.0e+00;
	v13 =	vadd.f32 v56, v13;
	v61 =	vadd.f32 v60, v6  }
0x86: {  	v56 =	vadd.s32 $0x2800, v48;
	v15 =	vadd.f32 v17, v15;
	v17 =	vmax.f32 v50, $0.0e+00  }
0x87: {  	v55 =	vmax.f32 v18, $0.0e+00;
	v18 =	vmax.f32 v59, $0.0e+00;
	v9 =	vadd.f32 v17, v9  }
0x88: {  	v34 =	vld.idx.msk [tilespmem:v63+s2+$0x0], $0xffff;
	v20 =	vmax.f32 v20, $0.0e+00;
	v10 =	vadd.f32 v55, v10;
	v8 =	vadd.f32 v18, v8  }
0x89: {  	v37 =	vld.idx.msk [tilespmem:v24+s2+$0x0], $0xffff;
	v16 =	vmax.f32 v16, $0.0e+00;
	v18 =	vadd.f32 v28, v7;
	v11 =	vadd.f32 v20, v11  }
0x8a: {  	v32 =	vshll.u32 v62, $0x10;
	v19 =	vadd.f32 v62, v1;
	v51 =	vshll.u32 v42, $0x10  }
0x8b: {  	v52 =	vld.idx.msk [tilespmem:v43+s2+$0x0], $0xffff;
	v12 =	vadd.f32 v16, v12;
	v16 =	vmax.f32 v61, $0.0e+00;
	v33 =	vadd.f32 v32, v5  }
0x8c: {  	v45 =	vld.idx.msk [tilespmem:v35+s2+$0x0], $0xffff;
	v54 =	vadd.f32 v51, v5;
	v15 =	vadd.f32 v16, v15;
	v30 =	vmax.f32 v18, $0.0e+00  }
0x8d: {  	v59 =	vld.idx.msk [tilespmem:v23+s2+$0x0], $0xffff;
	v18 =	vmax.f32 v31, $0.0e+00;
	v38 =	vmax.f32 v19, $0.0e+00;
	v46 =	vadd.f32 v34, v2  }
0x8e: {  	v17 =	vld.idx.msk [tilespmem:v58+s2+$0x0], $0xffff;
	v41 =	vshll.u32 v34, $0x10;
	v49 =	vadd.f32 v37, v4;
	v19 =	vadd.f32 v42, v1  }
0x8f: {  	v47 =	vshll.u32 v37, $0x10;
	v14 =	vadd.f32 v30, v14;
	v9 =	vadd.f32 v18, v9  }
0x90: {  	v62 =	vshll.u32 v52, $0x10;
	v13 =	vadd.f32 v38, v13;
	v44 =	vadd.f32 v41, v6  }
0x91: {  	v63 =	vld.idx.msk [tilespmem:v48+s2+$0x0], $0xffff;
	v16 =	vmax.f32 v33, $0.0e+00;
	v20 =	vadd.f32 v47, v7;
	v30 =	vadd.f32 v52, v2  }
0x92: {  	v10 =	vadd.f32 v16, v10;
	v53 =	vmax.f32 v49, $0.0e+00;
	v55 =	vshll.u32 v45, $0x10  }
0x93: {  	v60 =	vmax.f32 v19, $0.0e+00;
	v31 =	vshll.u32 v59, $0x10;
	v39 =	vadd.f32 v17, v0  }
0x94: {  	v36 =	vshll.u32 v17, $0x10;
	v9 =	vadd.f32 v53, v9;
	v58 =	vadd.f32 v55, v3  }
0x95: {  	v32 =	vld [tilespmem:s21+$0xF200];
	v17 =	vmax.f32 v44, $0.0e+00;
	v13 =	vadd.f32 v60, v13;
	v33 =	vadd.f32 v31, v7  }
0x96: {  	v50 =	vmax.f32 v20, $0.0e+00;
	v20 =	vadd.f32 v59, v4;
	v19 =	vadd.f32 v63, v1  }
0x97: {  	v57 =	vmax.f32 v54, $0.0e+00;
	v18 =	vadd.f32 v36, v3;
	v15 =	vadd.f32 v17, v15  }
0x98: {  	v34 =	vshll.u32 v63, $0x10;
	v14 =	vadd.f32 v50, v14;
	v10 =	vadd.f32 v57, v10  }
0x99: {  	v28 =	vadd.s32 $0x5000, v48;
	v29 =	vld.idx.msk [tilespmem:v56+s2+$0x0], $0xffff;
	v17 =	vadd.f32 v62, v6;
	v35 =	vadd.f32 v34, v5  }
0x9a: {  	v43 =	vadd.s32 $0x5000, v32;
	v24 =	vadd.s32 $0x7800, v32;
	v16 =	vmax.f32 v39, $0.0e+00  }
0x9b: {  	v61 =	vmax.f32 v58, $0.0e+00;
	v37 =	vmax.f32 v20, $0.0e+00;
	v19 =	vmax.f32 v19, $0.0e+00  }
0x9c: {  	v40 =	vmax.f32 v18, $0.0e+00;
	v8 =	vadd.f32 v16, v8;
	v16 =	vmax.f32 v46, $0.0e+00  }
0x9d: {  	v18 =	vadd.f32 v45, v0;
	v17 =	vmax.f32 v17, $0.0e+00;
	v9 =	vadd.f32 v37, v9  }
0x9e: {  	v36 =	vld.idx.msk [tilespmem:v28+s2+$0x0], $0xffff;
	v38 =	vshll.u32 v29, $0x10;
	v13 =	vadd.f32 v19, v13;
	v12 =	vadd.f32 v40, v12  }
0x9f: {  	v11 =	vadd.f32 v16, v11;
	v15 =	vadd.f32 v17, v15;
	v17 =	vmax.f32 v33, $0.0e+00  }
0xa0: {  	v39 =	vld.idx.msk [tilespmem:v21+s2+$0x0], $0xffff;
	v20 =	vadd.f32 v38, v3;
	v40 =	vadd.s32 $0x2800, v32;
	v16 =	vadd.f32 v29, v0  }
0xa1: {  	v18 =	vmax.f32 v18, $0.0e+00;
	v14 =	vadd.f32 v17, v14;
	v12 =	vadd.f32 v61, v12  }
0xa2: {  	v45 =	vld [tilespmem:s21+$0xF280];
	v8 =	vadd.f32 v18, v8;
	v18 =	vmax.f32 v30, $0.0e+00;
	v20 =	vmax.f32 v20, $0.0e+00  }
0xa3: {  	v41 =	vshll.u32 v36, $0x10;
	v16 =	vmax.f32 v16, $0.0e+00;
	v44 =	vadd.f32 v36, v2  }
0xa4: {  	v42 =	vld.idx.msk [tilespmem:v32+s2+$0x0], $0xffff;
	v11 =	vadd.f32 v18, v11;
	v18 =	vmax.f32 v35, $0.0e+00;
	v19 =	vadd.f32 v41, v6  }
0xa5: {  	v46 =	vshll.u32 v39, $0x10;
	v17 =	vadd.f32 v39, v4;
	v10 =	vadd.f32 v18, v10  }
0xa6: {  	v21 =	vld.idx.msk [tilespmem:v43+s2+$0x0], $0xffff;
	v12 =	vadd.f32 v20, v12;
	v8 =	vadd.f32 v16, v8;
	v16 =	vmax.f32 v44, $0.0e+00  }
0xa7: {  	v52 =	vld.idx.msk [tilespmem:v24+s2+$0x0], $0xffff;
	v23 =	vadd.f32 v46, v7;
	v49 =	vadd.s32 $0x2800, v45;
	v55 =	vadd.s32 $0x5000, v45  }
0xa8: {  	v61 =	vld [tilespmem:s21+$0xF300];
	v60 =	vadd.s32 $0x7800, v45;
	v19 =	vmax.f32 v19, $0.0e+00;
	v11 =	vadd.f32 v16, v11  }
0xa9: {  	v47 =	vshll.u32 v42, $0x10;
	v17 =	vmax.f32 v17, $0.0e+00;
	v50 =	vadd.f32 v42, v1  }
0xaa: {  	v15 =	vadd.f32 v19, v15;
	v48 =	vmax.f32 v23, $0.0e+00;
	v16 =	vadd.f32 v47, v5  }
0xab: {  	v18 =	vld.idx.msk [tilespmem:v40+s2+$0x0], $0xffff;
	v9 =	vadd.f32 v17, v9;
	v14 =	vadd.f32 v48, v14;
	v19 =	vmax.f32 v50, $0.0e+00  }
0xac: {  	v35 =	vld [tilespmem:s21+$0xF380];
	v56 =	vshll.u32 v21, $0x10;
	v59 =	vshll.u32 v52, $0x10;
	v21 =	vadd.f32 v21, v2  }
0xad: {  	v62 =	vadd.f32 v52, v4;
	v31 =	vadd.s32 $0x2800, v61;
	v37 =	vadd.s32 $0x5000, v61  }
0xae: {  	v54 =	vld.idx.msk [tilespmem:v45+s2+$0x0], $0xffff;
	v22 =	vadd.s32 $0x7800, v61;
	v16 =	vmax.f32 v16, $0.0e+00;
	v13 =	vadd.f32 v19, v13  }
0xaf: {  	v58 =	vadd.f32 v56, v6;
	v10 =	vadd.f32 v16, v10;
	v21 =	vmax.f32 v21, $0.0e+00  }
0xb0: {  	v17 =	vld.idx.msk [tilespmem:v49+s2+$0x0], $0xffff;
	v28 =	vmax.f32 v62, $0.0e+00;
	v51 =	vshll.u32 v18, $0x10;
	v18 =	vadd.f32 v18, v0  }
0xb1: {  	v43 =	vadd.s32 $0x2800, v35;
	v24 =	vld.idx.msk [tilespmem:v55+s2+$0x0], $0xffff;
	v11 =	vadd.f32 v21, v11;
	v9 =	vadd.f32 v28, v9  }
0xb2: {  	v19 =	vld.idx.msk [tilespmem:v60+s2+$0x0], $0xffff;
	v53 =	vadd.f32 v51, v3;
	v57 =	vmax.f32 v18, $0.0e+00;
	v18 =	vmax.f32 v58, $0.0e+00  }
0xb3: {  	v63 =	vshll.u32 v54, $0x10;
	v20 =	vadd.f32 v54, v1;
	v8 =	vadd.f32 v57, v8  }
0xb4: {  	v16 =	vmax.f32 v53, $0.0e+00;
	v15 =	vadd.f32 v18, v15;
	v23 =	vadd.f32 v63, v5  }
0xb5: {  	v45 =	vadd.s32 $0x5000, v35;
	v34 =	vld.idx.msk [tilespmem:v61+s2+$0x0], $0xffff;
	v12 =	vadd.f32 v16, v12;
	v16 =	vadd.f32 v59, v7  }
0xb6: {  	v30 =	vshll.u32 v17, $0x10;
	v32 =	vadd.f32 v17, v0;
	v33 =	vshll.u32 v24, $0x10  }
0xb7: {  	v47 =	vld.idx.msk [tilespmem:v35+s2+$0x0], $0xffff;
	v36 =	vshll.u32 v19, $0x10;
	v24 =	vadd.f32 v24, v2;
	v19 =	vadd.f32 v19, v4  }
0xb8: {  	v20 =	vmax.f32 v20, $0.0e+00;
	v18 =	vadd.f32 v30, v3;
	v17 =	vadd.f32 v33, v6  }
0xb9: {  	v21 =	vld.idx.msk [tilespmem:v31+s2+$0x0], $0xffff;
	v29 =	vmax.f32 v23, $0.0e+00;
	v13 =	vadd.f32 v20, v13;
	v20 =	vadd.f32 v36, v7  }
0xba: {  	v42 =	vld.idx.msk [tilespmem:v37+s2+$0x0], $0xffff;
	v40 =	vshll.u32 v34, $0x10;
	v23 =	vadd.f32 v34, v1;
	v16 =	vmax.f32 v16, $0.0e+00  }
0xbb: {  	v22 =	vld.idx.msk [tilespmem:v22+s2+$0x0], $0xffff;
	v10 =	vadd.f32 v29, v10;
	v38 =	vmax.f32 v24, $0.0e+00;
	v41 =	vmax.f32 v19, $0.0e+00  }
0xbc: {  	v54 =	vshll.u32 v47, $0x10;
	v1 =	vadd.f32 v47, v1;
	v14 =	vadd.f32 v16, v14  }
0xbd: {  	v18 =	vmax.f32 v18, $0.0e+00;
	v16 =	vmax.f32 v32, $0.0e+00;
	v17 =	vmax.f32 v17, $0.0e+00  }
0xbe: {  	v39 =	vmax.f32 v20, $0.0e+00;
	v11 =	vadd.f32 v38, v11;
	v9 =	vadd.f32 v41, v9  }
0xbf: {  	v52 =	vld.idx.msk [tilespmem:v45+s2+$0x0], $0xffff;
	v44 =	vshll.u32 v21, $0x10;
	v21 =	vadd.f32 v21, v0;
	v19 =	vadd.f32 v42, v2  }
0xc0: {  	v23 =	vmax.f32 v23, $0.0e+00;
	v57 =	vadd.f32 v22, v4;
	v12 =	vadd.f32 v18, v12  }
0xc1: {  	v50 =	vshll.u32 v42, $0x10;
	v8 =	vadd.f32 v16, v8;
	v15 =	vadd.f32 v17, v15  }
0xc2: {  	v51 =	vshll.u32 v22, $0x10;
	v16 =	vadd.f32 v40, v5;
	v46 =	vadd.f32 v44, v3  }
0xc3: {  	v18 =	vadd.s32 $0x7800, v35;
	v13 =	vadd.f32 v23, v13;
	v17 =	vadd.f32 v50, v6  }
0xc4: {  	v53 =	vadd.f32 v51, v7;
	v5 =	vadd.f32 v54, v5;
	v56 =	vshll.u32 v52, $0x10  }
0xc5: {  	v1 =	vmax.f32 v1, $0.0e+00;
	v2 =	vadd.f32 v52, v2;
	v14 =	vadd.f32 v39, v14  }
0xc6: {  	v20 =	vld.idx.msk [tilespmem:v43+s2+$0x0], $0xffff;
	v49 =	vmax.f32 v21, $0.0e+00;
	v19 =	vmax.f32 v19, $0.0e+00;
	v6 =	vadd.f32 v56, v6  }
0xc7: {  	v59 =	vmax.f32 v57, $0.0e+00;
	v16 =	vmax.f32 v16, $0.0e+00;
	v48 =	vmax.f32 v46, $0.0e+00  }
0xc8: {  	v8 =	vadd.f32 v49, v8;
	v17 =	vmax.f32 v17, $0.0e+00;
	v11 =	vadd.f32 v19, v11;
	v18 =	vld.idx.msk [tilespmem:v18+s2+$0x0], $0xffff  }
0xc9: {  	v5 =	vmax.f32 v5, $0.0e+00;
	v1 =	vadd.f32 v1, v13;
	v2 =	vmax.f32 v2, $0.0e+00  }
0xca: {  	v10 =	vadd.f32 v16, v10;
	v12 =	vadd.f32 v48, v12;
	v16 =	vmax.f32 v53, $0.0e+00  }
0xcb: {  	v15 =	vadd.f32 v17, v15;
	v14 =	vadd.f32 v16, v14;
	v55 =	vshll.u32 v20, $0x10  }
0xcc: {  	v6 =	vmax.f32 v6, $0.0e+00;
	v2 =	vadd.f32 v2, v11;
	v3 =	vadd.f32 v55, v3  }
0xcd: {  	v0 =	vadd.f32 v20, v0;
	v5 =	vadd.f32 v5, v10;
	[tilespmem:s21+$0x11A00] =	vst v1;
	v58 =	vshll.u32 v18, $0x10  }
0xce: {  	v6 =	vadd.f32 v6, v15;
	[tilespmem:s21+$0x11B00] =	vst v2;
	v3 =	vmax.f32 v3, $0.0e+00;
	v7 =	vadd.f32 v58, v7  }
0xcf: {  	p0 =	sne.s32 s20, $0x4F0;
	v0 =	vmax.f32 v0, $0.0e+00;
	[tilespmem:s21+$0x11800] =	vst v5;
	v3 =	vadd.f32 v3, v12;
	v61 =	vadd.f32 v18, v4  }
.Ltmp0:
0xd0: {  	v62 =	vadd.f32 v59, v9;
	[tilespmem:s21+$0x11900] =	vst v6;
	v0 =	vadd.f32 v0, v8;
	v7 =	vmax.f32 v7, $0.0e+00;
	(pc) =	sbr.rel @p0 .LBB2_2-.Ltmp0, $4  }
0xd1: {  	[tilespmem:s21+$0x11880] =	vst v3;
	v3 =	vmax.f32 v61, $0.0e+00;
	v60 =	vadd.f32 v7, v14  }
0xd2: {  	[tilespmem:s21+$0x11A80] =	vst v0;
	v63 =	vadd.f32 v3, v62  }
0xd3: {  	[tilespmem:s21+$0x11980] =	vst v60  }
0xd4: {  	s18 =	sadd.s32 $0x1, s18;
	s20 =	sadd.s32 $0x10, s20;
	s19 =	sadd.s32 $0x80, s19;
	[tilespmem:s22+$0x11800] =	vst v63  }
0xd5: {  	s17 =	sadd.s32 $0x1, s17  }
0xd6: {  	p0 =	sne.s32 s17, s7  }
.Ltmp1:
0xd7: {  	_ = 	snop;
	(pc) =	sbr.rel @p0 .LBB2_1-.Ltmp1, $4  }
0xd8: {  	[hbm4b:s6+s2] =	stream.linear.scatter [tilespmem:s15], [sflag:$0x2], $0x2800, $0x38;
	[tilespmem:$0x14000] =	vst v63  }
0xd9: {  	_ =	swait.ge [sflag:s16], $0x2800  }
0xda: {  	[sflag:s16] =	ssyncset.done $0x0  }
0xdb: {  	[sflag:s16] =	ssyncadd.s32 $0xFFFFD800  }
0xdc: {  	_ =	sfence.sel $0x180000  }
0xdd: {  	[bflag:$0x0] =	sbarrier.arrive $0xFFFF  }
0xde: {  	p0 =	sne.s32 s0, $0x0;
	_ =	strace $0x90000047  }
0xdf: {  	s0 =	sadd.s32 @!p0 $0x100000, s1;
	[bflag:$0x2] =	sbarrier.arrive $0xFFFF  }
0xe0: {  	[sflag:s0] =	ssyncadd.tile.s32 @!p0 $0x1;
	_ =	shalt  }
.Lfunc_end2:
_tile_overlayer_lowered:
.L_overlay_start_2:
0xe1: {  	(tag) =	ssettag $0x2  }
0xe2: {  	s0 =	rddreg [dreg:$0x0];
	s2 =	stileid.u32  }
0xe3: {  	s1 =	rddreg [dreg:$0x1];
	p0 =	sne.s32 s2, $0x0  }
0xe4: {  	s3 =	rddreg [dreg:$0x2];
	[bflag:$0x3] =	sbarrier.arrive $0xFFFF;
	s2 =	simm.s32 @!p0 $0x1C02  }
0xe5: {  	[timem:s3], [sflag:s2] =	dma.local @!p0 [hbm:s0], s1  }
0xe6: {  	s0 =	simm.s32 @!p0 $0x2  }
0xe7: {  	_ =	swait.ge @!p0 [sflag:s0], s1  }
0xe8: {  	s1 =	ssub.s32 @!p0 $0x0, s1;
	[sflag:s0] =	ssyncset.done @!p0 $0x0  }
0xe9: {  	[sflag:s0] =	ssyncadd.s32 @!p0 s1  }
0xea: {  	[bflag:$0x3] =	sbarrier.arrive $0xFFFF  }
0xeb: {  	_ =	shalt  }

</sc_bundles>
